<compile_context>
chip_gen: v7x
topology: tpu7x:2x2x1
jax: 0.10.2.dev20260603
libtpu: 0.0.44.dev20260713+nightly
codegen_flags: <defaults>
</compile_context>

<pallas_src>
import functools

import jax
import jax.numpy as jnp
from jax import lax
from jax.experimental import pallas as pl
from jax.experimental.pallas import tpu as pltpu
from jax.experimental.pallas import tpu_sc as plsc

_N = 100000
_E = 3200000
_D = 128
_NSUB = 16
_NPAD = 100096
_RPT = _NPAD // _NSUB
_G = 2000
_NG = _E // _G
_NGT = _NG // _NSUB
_K = 4
_NB = _NGT // _K


def _proj_body(fu_ref, fi_ref, wr_ref, wv_ref, br_ref, bv_ref, our_ref, ovi_ref):
    blk = fu_ref.shape[0]
    one = jnp.ones((blk, 1), jnp.float32)
    zero5 = jnp.zeros((blk, 5), jnp.float32)
    mm_r = jnp.dot(fu_ref[...], wr_ref[...], preferred_element_type=jnp.float32)
    our_ref[...] = jnp.concatenate([mm_r + br_ref[...], one, zero5], axis=1)
    mm_v = jnp.dot(fi_ref[...], wv_ref[...], preferred_element_type=jnp.float32)
    ovi_ref[...] = jnp.concatenate([mm_v + bv_ref[...], one, zero5], axis=1)


def _project(feat_user, feat_item, W4_rel, W4_rev, b4_rel, b4_rev):
    blk = 1000
    grid = (_N // blk,)
    return pl.pallas_call(
        _proj_body,
        grid=grid,
        in_specs=[
            pl.BlockSpec((blk, _D), lambda i: (i, 0)),
            pl.BlockSpec((blk, _D), lambda i: (i, 0)),
            pl.BlockSpec((_D, 2), lambda i: (0, 0)),
            pl.BlockSpec((_D, 2), lambda i: (0, 0)),
            pl.BlockSpec((1, 2), lambda i: (0, 0)),
            pl.BlockSpec((1, 2), lambda i: (0, 0)),
        ],
        out_specs=[
            pl.BlockSpec((blk, 8), lambda i: (i, 0)),
            pl.BlockSpec((blk, 8), lambda i: (i, 0)),
        ],
        out_shape=[
            jax.ShapeDtypeStruct((_N, 8), jnp.float32),
            jax.ShapeDtypeStruct((_N, 8), jnp.float32),
        ],
    )(feat_user, feat_item, W4_rel, W4_rev, b4_rel, b4_rev)


def _sc_body(whp_rev, whp_rel, ei_rev, ei_rel, zeros_hbm, out_hbm,
             src_v, dst_v, rows_v, acc_sh, gsems):
    c = lax.axis_index("c")
    s = lax.axis_index("s")
    r0 = s * _RPT

    pltpu.sync_copy(zeros_hbm.at[pl.ds(r0, _RPT)], acc_sh.at[pl.ds(r0, _RPT)])
    plsc.subcore_barrier()

    def process(ei, whp):
        base = s * _NGT

        def it(i, carry):
            e0 = (base + i * _K) * _G
            for b in range(_K):
                pltpu.sync_copy(ei.at[0, pl.ds(e0 + b * _G, _G)], src_v.at[b])
                pltpu.sync_copy(ei.at[1, pl.ds(e0 + b * _G, _G)], dst_v.at[b])
            descs = [
                pltpu.async_copy(whp.at[src_v.at[b]], rows_v.at[b], gsems[b])
                for b in range(_K)
            ]
            for b in range(_K):
                descs[b].wait()
                pltpu.sync_copy(rows_v.at[b], acc_sh.at[dst_v.at[b]], add=True)
            return carry
        lax.fori_loop(0, _NB, it, 0)

    @pl.when(c == 0)
    def _():
        process(ei_rev, whp_rev)

    @pl.when(c == 1)
    def _():
        process(ei_rel, whp_rel)

    plsc.subcore_barrier()

    @pl.when(c == 0)
    def _():
        pltpu.sync_copy(acc_sh.at[pl.ds(r0, _RPT)], out_hbm.at[0, pl.ds(r0, _RPT)])

    @pl.when(c == 1)
    def _():
        pltpu.sync_copy(acc_sh.at[pl.ds(r0, _RPT)], out_hbm.at[1, pl.ds(r0, _RPT)])


def _sc_aggregate(whp_rev, whp_rel, ei_rev, ei_rel, zeros):
    mesh = plsc.VectorSubcoreMesh(core_axis_name="c", subcore_axis_name="s")
    f = pl.kernel(
        _sc_body,
        out_type=jax.ShapeDtypeStruct((2, _NPAD, 8), jnp.float32),
        mesh=mesh,
        scratch_types=[
            pltpu.VMEM((_K, _G), jnp.int32),
            pltpu.VMEM((_K, _G), jnp.int32),
            pltpu.VMEM((_K, _G, 8), jnp.float32),
            pltpu.VMEM_SHARED((_NPAD, 8), jnp.float32),
            [pltpu.SemaphoreType.DMA] * _K,
        ],
        compiler_params=pltpu.CompilerParams(use_tc_tiling_on_sc=False),
    )
    return f(whp_rev, whp_rel, ei_rev, ei_rel, zeros)



def _fin_body(acc_ref, out_ref):
    x = acc_ref[...]
    sums = x[:, :, 0:2]
    cnt = x[:, :, 2:3]
    out_ref[...] = jnp.where(cnt > 0.0, sums / jnp.maximum(cnt, 1.0), 0.0)


def _finalize(acc):
    blk = 1000
    grid = (_N // blk,)
    return pl.pallas_call(
        _fin_body,
        grid=grid,
        in_specs=[pl.BlockSpec((2, blk, 8), lambda i: (0, i, 0))],
        out_specs=pl.BlockSpec((2, blk, 2), lambda i: (0, i, 0)),
        out_shape=jax.ShapeDtypeStruct((2, _N, 2), jnp.float32),
    )(acc)


def kernel(feat_user, feat_item, edge_index_rel, edge_index_rev,
           W_rel, b_rel, W_rev, b_rev):
    whp_rel, whp_rev = _project(feat_user, feat_item, W_rel, W_rev,
                                b_rel.reshape(1, 2), b_rev.reshape(1, 2))

    zeros = jnp.zeros((_NPAD, 8), jnp.float32)
    acc = _sc_aggregate(whp_rev, whp_rel, edge_index_rev, edge_index_rel, zeros)
    return _finalize(acc)

# --- scband reference (transcript-rebuilt; emitter-appended) ---
"""Pipeline reference for scband-model-30906584662567 (READ-ONLY COPY).

The authoritative reference and input builder live on the scoring server;
editing this copy changes nothing except your own understanding.
"""

import jax, jax.numpy as jnp
import numpy as np

N = 100000
E = 3200000
D = 128
C = 2


def setup_inputs(seed: int = 0) -> dict:
    key = jax.random.key(seed)
    ks = jax.random.split(key, 8)
    feat_user = jax.random.normal(ks[0], (N, D), dtype=jnp.float32)
    feat_item = jax.random.normal(ks[1], (N, D), dtype=jnp.float32)
    edge_index_rel = jax.random.randint(ks[2], (2, E), 0, N, dtype=jnp.int32)
    edge_index_rev = jax.random.randint(ks[3], (2, E), 0, N, dtype=jnp.int32)
    W_rel = jax.random.normal(ks[4], (D, C), dtype=jnp.float32) * 0.05
    b_rel = jnp.zeros((C,), dtype=jnp.float32)
    W_rev = jax.random.normal(ks[5], (D, C), dtype=jnp.float32) * 0.05
    b_rev = jnp.zeros((C,), dtype=jnp.float32)
    return {
        "feat_user": feat_user,
        "feat_item": feat_item,
        "edge_index_rel": edge_index_rel,
        "edge_index_rev": edge_index_rev,
        "W_rel": W_rel,
        "b_rel": b_rel,
        "W_rev": W_rev,
        "b_rev": b_rev,
    }


def _mean_agg(wh, src, dst, num_dst):
    # copy_u -> mean: gather projected src features along edges, mean-reduce by dst
    msg = jnp.take(wh, src, axis=0)
    s = jax.ops.segment_sum(msg, dst, num_segments=num_dst)
    deg = jax.ops.segment_sum(jnp.ones((src.shape[0],), jnp.float32), dst, num_segments=num_dst)
    return jnp.where(deg[:, None] > 0, s / jnp.maximum(deg, 1.0)[:, None], 0.0)


def reference(feat_user, feat_item, edge_index_rel, edge_index_rev, W_rel, b_rel, W_rev, b_rev):
    # etype ('user','rel','item'): per-etype Linear on src feat, then mean over in-edges of item
    wh_u = feat_user @ W_rel + b_rel
    h_item = _mean_agg(wh_u, edge_index_rel[0], edge_index_rel[1], N)
    # etype ('item','rev_rel','user')
    wh_i = feat_item @ W_rev + b_rev
    h_user = _mean_agg(wh_i, edge_index_rev[0], edge_index_rev[1], N)
    # multi_update_all cross-type reducer 'sum': each ntype receives from exactly one etype here
    return jnp.stack([h_user, h_item])

if __name__ == "__main__":
    import jax
    _d = setup_inputs()
    print(jax.jit(kernel)(*tuple(_d.values())))

</pallas_src>

<mosaic_0001>
#map = affine_map<(d0, d1) -> (0, 0)>
#map1 = affine_map<(d0, d1) -> (0, 0, 0)>
module attributes {stable_mosaic.version = 14 : i64} {
  func.func @_sc_body(%arg0: i32, %arg1: i32, %arg2: memref<100000x8xf32, #tpu.memory_space<hbm>>, %arg3: memref<100000x8xf32, #tpu.memory_space<hbm>>, %arg4: memref<2x3200000xi32, #tpu.memory_space<hbm>>, %arg5: memref<2x3200000xi32, #tpu.memory_space<hbm>>, %arg6: memref<100096x8xf32, #tpu.memory_space<hbm>>, %arg7: memref<2x100096x8xf32, #tpu.memory_space<hbm>>, %arg8: memref<4x2000xi32, #tpu.memory_space<vmem>>, %arg9: memref<4x2000xi32, #tpu.memory_space<vmem>>, %arg10: memref<4x2000x8xf32, #tpu.memory_space<vmem>>, %arg11: memref<100096x8xf32, #tpu.memory_space<vmem_shared>>, %arg12: memref<!tpu.dma_semaphore, #tpu.memory_space<semaphore_mem>>, %arg13: memref<!tpu.dma_semaphore, #tpu.memory_space<semaphore_mem>>, %arg14: memref<!tpu.dma_semaphore, #tpu.memory_space<semaphore_mem>>, %arg15: memref<!tpu.dma_semaphore, #tpu.memory_space<semaphore_mem>>) attributes {dimension_semantics = [#tpu.dimension_semantics<core_parallel>, #tpu.dimension_semantics<subcore_parallel>], iteration_bounds = array<i64: 2, 16>, scalar_prefetch = 0 : i64, scratch_operands = 8 : i64, tpu.core_type = #tpu.core_type<sc_vector_subcore>, window_params = [{transform_indices = #map}, {transform_indices = #map}, {transform_indices = #map}, {transform_indices = #map}, {transform_indices = #map}, {transform_indices = #map1}]} {
    %mul3A = arith.constant 6256 : i32
    %mul3A_0 = arith.muli %arg1, %mul3A : i32
    "tpu.region"() ({
      %run_scoped3A = tpu.sem_alloc : memref<!tpu.dma_semaphore, #tpu.memory_space<semaphore_mem>>
      %dma_start3A = arith.constant 0 : i32
      %dma_start3A_19 = tpu.memref_slice %arg11[%mul3A_0, %dma_start3A] : memref<100096x8xf32, #tpu.memory_space<vmem_shared>> -> memref<6256x8xf32, #tpu.memory_space<vmem_shared>>
      %dma_start3A_20 = arith.constant 0 : i32
      %dma_start3A_21 = tpu.memref_slice %arg6[%mul3A_0, %dma_start3A_20] : memref<100096x8xf32, #tpu.memory_space<hbm>> -> memref<6256x8xf32, #tpu.memory_space<hbm>>
      tpu.enqueue_dma source(%dma_start3A_21 : memref<6256x8xf32, #tpu.memory_space<hbm>>) target(%dma_start3A_19 : memref<6256x8xf32, #tpu.memory_space<vmem_shared>>) target_semaphore(%run_scoped3A : memref<!tpu.dma_semaphore, #tpu.memory_space<semaphore_mem>>)
      %dma_wait3A = arith.constant 0 : i32
      %dma_wait3A_22 = tpu.memref_slice %arg11[%mul3A_0, %dma_wait3A] : memref<100096x8xf32, #tpu.memory_space<vmem_shared>> -> memref<6256x8xf32, #tpu.memory_space<vmem_shared>>
      %dma_wait3A_23 = arith.constant 0 : i32
      %dma_wait3A_24 = tpu.memref_slice %arg6[%mul3A_0, %dma_wait3A_23] : memref<100096x8xf32, #tpu.memory_space<hbm>> -> memref<6256x8xf32, #tpu.memory_space<hbm>>
      tpu.wait_dma2 semaphore(%run_scoped3A : memref<!tpu.dma_semaphore, #tpu.memory_space<semaphore_mem>>) src(%dma_wait3A_24 : memref<6256x8xf32, #tpu.memory_space<hbm>>) dst(%dma_wait3A_22 : memref<6256x8xf32, #tpu.memory_space<vmem_shared>>)
      tpu.yield
    }) : () -> ()
    %barrier3A = arith.constant 0 : index
    tpu.barrier barrier_id(%barrier3A)
    %eq3A = arith.constant 0 : i32
    %eq3A_1 = arith.cmpi eq, %arg0, %eq3A : i32
    %convert_element_type3A = arith.extui %eq3A_1 : i1 to i32
    %cond3A = arith.constant 0 : i32
    %cond3A_2 = arith.cmpi ne, %convert_element_type3A, %cond3A : i32
    scf.if %cond3A_2 {
      %mul3A_19 = arith.constant 100 : i32
      %mul3A_20 = arith.muli %arg1, %mul3A_19 : i32
      %scan3A = arith.constant 0 : i32
      %scan3A_21 = arith.constant 0 : i32
      %scan3A_22 = arith.constant 25 : i32
      %scan3A_23 = arith.addi %scan3A_21, %scan3A_22 : i32
      %scan3A_24 = arith.constant 1 : i32
      scf.for %scan3A_26 = %scan3A_21 to %scan3A_23 step %scan3A_24  : i32 {
        %mul3A_27 = arith.constant 4 : i32
        %mul3A_28 = arith.muli %scan3A_26, %mul3A_27 : i32
        %add3A = arith.addi %mul3A_20, %mul3A_28 : i32
        %mul3A_29 = arith.constant 2000 : i32
        %mul3A_30 = arith.muli %add3A, %mul3A_29 : i32
        %add3A_31 = arith.constant 0 : i32
        %add3A_32 = arith.addi %mul3A_30, %add3A_31 : i32
        %run_scoped3A = arith.constant 0 : i32
        %run_scoped3A_33 = arith.constant 0 : i32
        "tpu.region"() ({
          %run_scoped3A_164 = tpu.sem_alloc : memref<!tpu.dma_semaphore, #tpu.memory_space<semaphore_mem>>
          %dma_start3A_165 = arith.constant 0 : i32
          %dma_start3A_166 = tpu.memref_slice %arg8[%run_scoped3A_33, %dma_start3A_165] : memref<4x2000xi32, #tpu.memory_space<vmem>> -> memref<1x2000xi32, #tpu.memory_space<vmem>>
          %dma_start3A_167 = tpu.memref_squeeze %dma_start3A_166 : memref<1x2000xi32, #tpu.memory_space<vmem>> -> memref<2000xi32, #tpu.memory_space<vmem>>
          %dma_start3A_168 = tpu.memref_slice %arg4[%run_scoped3A, %add3A_32] : memref<2x3200000xi32, #tpu.memory_space<hbm>> -> memref<1x2000xi32, #tpu.memory_space<hbm>>
          %dma_start3A_169 = tpu.memref_squeeze %dma_start3A_168 : memref<1x2000xi32, #tpu.memory_space<hbm>> -> memref<2000xi32, #tpu.memory_space<hbm>>
          %dma_start3A_170 = arith.constant 0 : i32
          %dma_start3A_171 = tpu.memref_slice %arg8[%run_scoped3A_33, %dma_start3A_170] : memref<4x2000xi32, #tpu.memory_space<vmem>> -> memref<1x2000xi32, #tpu.memory_space<vmem>>
          %dma_start3A_172 = tpu.memref_squeeze %dma_start3A_171 : memref<1x2000xi32, #tpu.memory_space<vmem>> -> memref<2000xi32, #tpu.memory_space<vmem>>
          %dma_start3A_173 = tpu.memref_slice %arg4[%run_scoped3A, %add3A_32] : memref<2x3200000xi32, #tpu.memory_space<hbm>> -> memref<1x2000xi32, #tpu.memory_space<hbm>>
          %dma_start3A_174 = tpu.memref_squeeze %dma_start3A_173 : memref<1x2000xi32, #tpu.memory_space<hbm>> -> memref<2000xi32, #tpu.memory_space<hbm>>
          tpu.enqueue_dma source(%dma_start3A_174 : memref<2000xi32, #tpu.memory_space<hbm>>) target(%dma_start3A_172 : memref<2000xi32, #tpu.memory_space<vmem>>) target_semaphore(%run_scoped3A_164 : memref<!tpu.dma_semaphore, #tpu.memory_space<semaphore_mem>>)
          %dma_wait3A_175 = arith.constant 0 : i32
          %dma_wait3A_176 = tpu.memref_slice %arg8[%run_scoped3A_33, %dma_wait3A_175] : memref<4x2000xi32, #tpu.memory_space<vmem>> -> memref<1x2000xi32, #tpu.memory_space<vmem>>
          %dma_wait3A_177 = tpu.memref_squeeze %dma_wait3A_176 : memref<1x2000xi32, #tpu.memory_space<vmem>> -> memref<2000xi32, #tpu.memory_space<vmem>>
          %dma_wait3A_178 = tpu.memref_slice %arg4[%run_scoped3A, %add3A_32] : memref<2x3200000xi32, #tpu.memory_space<hbm>> -> memref<1x2000xi32, #tpu.memory_space<hbm>>
          %dma_wait3A_179 = tpu.memref_squeeze %dma_wait3A_178 : memref<1x2000xi32, #tpu.memory_space<hbm>> -> memref<2000xi32, #tpu.memory_space<hbm>>
          %dma_wait3A_180 = arith.constant 0 : i32
          %dma_wait3A_181 = tpu.memref_slice %arg8[%run_scoped3A_33, %dma_wait3A_180] : memref<4x2000xi32, #tpu.memory_space<vmem>> -> memref<1x2000xi32, #tpu.memory_space<vmem>>
          %dma_wait3A_182 = tpu.memref_squeeze %dma_wait3A_181 : memref<1x2000xi32, #tpu.memory_space<vmem>> -> memref<2000xi32, #tpu.memory_space<vmem>>
          %dma_wait3A_183 = tpu.memref_slice %arg4[%run_scoped3A, %add3A_32] : memref<2x3200000xi32, #tpu.memory_space<hbm>> -> memref<1x2000xi32, #tpu.memory_space<hbm>>
          %dma_wait3A_184 = tpu.memref_squeeze %dma_wait3A_183 : memref<1x2000xi32, #tpu.memory_space<hbm>> -> memref<2000xi32, #tpu.memory_space<hbm>>
          tpu.wait_dma2 semaphore(%run_scoped3A_164 : memref<!tpu.dma_semaphore, #tpu.memory_space<semaphore_mem>>) src(%dma_wait3A_184 : memref<2000xi32, #tpu.memory_space<hbm>>) dst(%dma_wait3A_182 : memref<2000xi32, #tpu.memory_space<vmem>>)
          tpu.yield
        }) : () -> ()
        %add3A_34 = arith.constant 0 : i32
        %add3A_35 = arith.addi %mul3A_30, %add3A_34 : i32
        %run_scoped3A_36 = arith.constant 1 : i32
        %run_scoped3A_37 = arith.constant 0 : i32
        "tpu.region"() ({
          %run_scoped3A_164 = tpu.sem_alloc : memref<!tpu.dma_semaphore, #tpu.memory_space<semaphore_mem>>
          %dma_start3A_165 = arith.constant 0 : i32
          %dma_start3A_166 = tpu.memref_slice %arg9[%run_scoped3A_37, %dma_start3A_165] : memref<4x2000xi32, #tpu.memory_space<vmem>> -> memref<1x2000xi32, #tpu.memory_space<vmem>>
          %dma_start3A_167 = tpu.memref_squeeze %dma_start3A_166 : memref<1x2000xi32, #tpu.memory_space<vmem>> -> memref<2000xi32, #tpu.memory_space<vmem>>
          %dma_start3A_168 = tpu.memref_slice %arg4[%run_scoped3A_36, %add3A_35] : memref<2x3200000xi32, #tpu.memory_space<hbm>> -> memref<1x2000xi32, #tpu.memory_space<hbm>>
          %dma_start3A_169 = tpu.memref_squeeze %dma_start3A_168 : memref<1x2000xi32, #tpu.memory_space<hbm>> -> memref<2000xi32, #tpu.memory_space<hbm>>
          %dma_start3A_170 = arith.constant 0 : i32
          %dma_start3A_171 = tpu.memref_slice %arg9[%run_scoped3A_37, %dma_start3A_170] : memref<4x2000xi32, #tpu.memory_space<vmem>> -> memref<1x2000xi32, #tpu.memory_space<vmem>>
          %dma_start3A_172 = tpu.memref_squeeze %dma_start3A_171 : memref<1x2000xi32, #tpu.memory_space<vmem>> -> memref<2000xi32, #tpu.memory_space<vmem>>
          %dma_start3A_173 = tpu.memref_slice %arg4[%run_scoped3A_36, %add3A_35] : memref<2x3200000xi32, #tpu.memory_space<hbm>> -> memref<1x2000xi32, #tpu.memory_space<hbm>>
          %dma_start3A_174 = tpu.memref_squeeze %dma_start3A_173 : memref<1x2000xi32, #tpu.memory_space<hbm>> -> memref<2000xi32, #tpu.memory_space<hbm>>
          tpu.enqueue_dma source(%dma_start3A_174 : memref<2000xi32, #tpu.memory_space<hbm>>) target(%dma_start3A_172 : memref<2000xi32, #tpu.memory_space<vmem>>) target_semaphore(%run_scoped3A_164 : memref<!tpu.dma_semaphore, #tpu.memory_space<semaphore_mem>>)
          %dma_wait3A_175 = arith.constant 0 : i32
          %dma_wait3A_176 = tpu.memref_slice %arg9[%run_scoped3A_37, %dma_wait3A_175] : memref<4x2000xi32, #tpu.memory_space<vmem>> -> memref<1x2000xi32, #tpu.memory_space<vmem>>
          %dma_wait3A_177 = tpu.memref_squeeze %dma_wait3A_176 : memref<1x2000xi32, #tpu.memory_space<vmem>> -> memref<2000xi32, #tpu.memory_space<vmem>>
          %dma_wait3A_178 = tpu.memref_slice %arg4[%run_scoped3A_36, %add3A_35] : memref<2x3200000xi32, #tpu.memory_space<hbm>> -> memref<1x2000xi32, #tpu.memory_space<hbm>>
          %dma_wait3A_179 = tpu.memref_squeeze %dma_wait3A_178 : memref<1x2000xi32, #tpu.memory_space<hbm>> -> memref<2000xi32, #tpu.memory_space<hbm>>
          %dma_wait3A_180 = arith.constant 0 : i32
          %dma_wait3A_181 = tpu.memref_slice %arg9[%run_scoped3A_37, %dma_wait3A_180] : memref<4x2000xi32, #tpu.memory_space<vmem>> -> memref<1x2000xi32, #tpu.memory_space<vmem>>
          %dma_wait3A_182 = tpu.memref_squeeze %dma_wait3A_181 : memref<1x2000xi32, #tpu.memory_space<vmem>> -> memref<2000xi32, #tpu.memory_space<vmem>>
          %dma_wait3A_183 = tpu.memref_slice %arg4[%run_scoped3A_36, %add3A_35] : memref<2x3200000xi32, #tpu.memory_space<hbm>> -> memref<1x2000xi32, #tpu.memory_space<hbm>>
          %dma_wait3A_184 = tpu.memref_squeeze %dma_wait3A_183 : memref<1x2000xi32, #tpu.memory_space<hbm>> -> memref<2000xi32, #tpu.memory_space<hbm>>
          tpu.wait_dma2 semaphore(%run_scoped3A_164 : memref<!tpu.dma_semaphore, #tpu.memory_space<semaphore_mem>>) src(%dma_wait3A_184 : memref<2000xi32, #tpu.memory_space<hbm>>) dst(%dma_wait3A_182 : memref<2000xi32, #tpu.memory_space<vmem>>)
          tpu.yield
        }) : () -> ()
        %add3A_38 = arith.constant 2000 : i32
        %add3A_39 = arith.addi %mul3A_30, %add3A_38 : i32
        %run_scoped3A_40 = arith.constant 0 : i32
        %run_scoped3A_41 = arith.constant 1 : i32
        "tpu.region"() ({
          %run_scoped3A_164 = tpu.sem_alloc : memref<!tpu.dma_semaphore, #tpu.memory_space<semaphore_mem>>
          %dma_start3A_165 = arith.constant 0 : i32
          %dma_start3A_166 = tpu.memref_slice %arg8[%run_scoped3A_41, %dma_start3A_165] : memref<4x2000xi32, #tpu.memory_space<vmem>> -> memref<1x2000xi32, #tpu.memory_space<vmem>>
          %dma_start3A_167 = tpu.memref_squeeze %dma_start3A_166 : memref<1x2000xi32, #tpu.memory_space<vmem>> -> memref<2000xi32, #tpu.memory_space<vmem>>
          %dma_start3A_168 = tpu.memref_slice %arg4[%run_scoped3A_40, %add3A_39] : memref<2x3200000xi32, #tpu.memory_space<hbm>> -> memref<1x2000xi32, #tpu.memory_space<hbm>>
          %dma_start3A_169 = tpu.memref_squeeze %dma_start3A_168 : memref<1x2000xi32, #tpu.memory_space<hbm>> -> memref<2000xi32, #tpu.memory_space<hbm>>
          %dma_start3A_170 = arith.constant 0 : i32
          %dma_start3A_171 = tpu.memref_slice %arg8[%run_scoped3A_41, %dma_start3A_170] : memref<4x2000xi32, #tpu.memory_space<vmem>> -> memref<1x2000xi32, #tpu.memory_space<vmem>>
          %dma_start3A_172 = tpu.memref_squeeze %dma_start3A_171 : memref<1x2000xi32, #tpu.memory_space<vmem>> -> memref<2000xi32, #tpu.memory_space<vmem>>
          %dma_start3A_173 = tpu.memref_slice %arg4[%run_scoped3A_40, %add3A_39] : memref<2x3200000xi32, #tpu.memory_space<hbm>> -> memref<1x2000xi32, #tpu.memory_space<hbm>>
          %dma_start3A_174 = tpu.memref_squeeze %dma_start3A_173 : memref<1x2000xi32, #tpu.memory_space<hbm>> -> memref<2000xi32, #tpu.memory_space<hbm>>
          tpu.enqueue_dma source(%dma_start3A_174 : memref<2000xi32, #tpu.memory_space<hbm>>) target(%dma_start3A_172 : memref<2000xi32, #tpu.memory_space<vmem>>) target_semaphore(%run_scoped3A_164 : memref<!tpu.dma_semaphore, #tpu.memory_space<semaphore_mem>>)
          %dma_wait3A_175 = arith.constant 0 : i32
          %dma_wait3A_176 = tpu.memref_slice %arg8[%run_scoped3A_41, %dma_wait3A_175] : memref<4x2000xi32, #tpu.memory_space<vmem>> -> memref<1x2000xi32, #tpu.memory_space<vmem>>
          %dma_wait3A_177 = tpu.memref_squeeze %dma_wait3A_176 : memref<1x2000xi32, #tpu.memory_space<vmem>> -> memref<2000xi32, #tpu.memory_space<vmem>>
          %dma_wait3A_178 = tpu.memref_slice %arg4[%run_scoped3A_40, %add3A_39] : memref<2x3200000xi32, #tpu.memory_space<hbm>> -> memref<1x2000xi32, #tpu.memory_space<hbm>>
          %dma_wait3A_179 = tpu.memref_squeeze %dma_wait3A_178 : memref<1x2000xi32, #tpu.memory_space<hbm>> -> memref<2000xi32, #tpu.memory_space<hbm>>
          %dma_wait3A_180 = arith.constant 0 : i32
          %dma_wait3A_181 = tpu.memref_slice %arg8[%run_scoped3A_41, %dma_wait3A_180] : memref<4x2000xi32, #tpu.memory_space<vmem>> -> memref<1x2000xi32, #tpu.memory_space<vmem>>
          %dma_wait3A_182 = tpu.memref_squeeze %dma_wait3A_181 : memref<1x2000xi32, #tpu.memory_space<vmem>> -> memref<2000xi32, #tpu.memory_space<vmem>>
          %dma_wait3A_183 = tpu.memref_slice %arg4[%run_scoped3A_40, %add3A_39] : memref<2x3200000xi32, #tpu.memory_space<hbm>> -> memref<1x2000xi32, #tpu.memory_space<hbm>>
          %dma_wait3A_184 = tpu.memref_squeeze %dma_wait3A_183 : memref<1x2000xi32, #tpu.memory_space<hbm>> -> memref<2000xi32, #tpu.memory_space<hbm>>
          tpu.wait_dma2 semaphore(%run_scoped3A_164 : memref<!tpu.dma_semaphore, #tpu.memory_space<semaphore_mem>>) src(%dma_wait3A_184 : memref<2000xi32, #tpu.memory_space<hbm>>) dst(%dma_wait3A_182 : memref<2000xi32, #tpu.memory_space<vmem>>)
          tpu.yield
        }) : () -> ()
        %add3A_42 = arith.constant 2000 : i32
        %add3A_43 = arith.addi %mul3A_30, %add3A_42 : i32
        %run_scoped3A_44 = arith.constant 1 : i32
        %run_scoped3A_45 = arith.constant 1 : i32
        "tpu.region"() ({
          %run_scoped3A_164 = tpu.sem_alloc : memref<!tpu.dma_semaphore, #tpu.memory_space<semaphore_mem>>
          %dma_start3A_165 = arith.constant 0 : i32
          %dma_start3A_166 = tpu.memref_slice %arg9[%run_scoped3A_45, %dma_start3A_165] : memref<4x2000xi32, #tpu.memory_space<vmem>> -> memref<1x2000xi32, #tpu.memory_space<vmem>>
          %dma_start3A_167 = tpu.memref_squeeze %dma_start3A_166 : memref<1x2000xi32, #tpu.memory_space<vmem>> -> memref<2000xi32, #tpu.memory_space<vmem>>
          %dma_start3A_168 = tpu.memref_slice %arg4[%run_scoped3A_44, %add3A_43] : memref<2x3200000xi32, #tpu.memory_space<hbm>> -> memref<1x2000xi32, #tpu.memory_space<hbm>>
          %dma_start3A_169 = tpu.memref_squeeze %dma_start3A_168 : memref<1x2000xi32, #tpu.memory_space<hbm>> -> memref<2000xi32, #tpu.memory_space<hbm>>
          %dma_start3A_170 = arith.constant 0 : i32
          %dma_start3A_171 = tpu.memref_slice %arg9[%run_scoped3A_45, %dma_start3A_170] : memref<4x2000xi32, #tpu.memory_space<vmem>> -> memref<1x2000xi32, #tpu.memory_space<vmem>>
          %dma_start3A_172 = tpu.memref_squeeze %dma_start3A_171 : memref<1x2000xi32, #tpu.memory_space<vmem>> -> memref<2000xi32, #tpu.memory_space<vmem>>
          %dma_start3A_173 = tpu.memref_slice %arg4[%run_scoped3A_44, %add3A_43] : memref<2x3200000xi32, #tpu.memory_space<hbm>> -> memref<1x2000xi32, #tpu.memory_space<hbm>>
          %dma_start3A_174 = tpu.memref_squeeze %dma_start3A_173 : memref<1x2000xi32, #tpu.memory_space<hbm>> -> memref<2000xi32, #tpu.memory_space<hbm>>
          tpu.enqueue_dma source(%dma_start3A_174 : memref<2000xi32, #tpu.memory_space<hbm>>) target(%dma_start3A_172 : memref<2000xi32, #tpu.memory_space<vmem>>) target_semaphore(%run_scoped3A_164 : memref<!tpu.dma_semaphore, #tpu.memory_space<semaphore_mem>>)
          %dma_wait3A_175 = arith.constant 0 : i32
          %dma_wait3A_176 = tpu.memref_slice %arg9[%run_scoped3A_45, %dma_wait3A_175] : memref<4x2000xi32, #tpu.memory_space<vmem>> -> memref<1x2000xi32, #tpu.memory_space<vmem>>
          %dma_wait3A_177 = tpu.memref_squeeze %dma_wait3A_176 : memref<1x2000xi32, #tpu.memory_space<vmem>> -> memref<2000xi32, #tpu.memory_space<vmem>>
          %dma_wait3A_178 = tpu.memref_slice %arg4[%run_scoped3A_44, %add3A_43] : memref<2x3200000xi32, #tpu.memory_space<hbm>> -> memref<1x2000xi32, #tpu.memory_space<hbm>>
          %dma_wait3A_179 = tpu.memref_squeeze %dma_wait3A_178 : memref<1x2000xi32, #tpu.memory_space<hbm>> -> memref<2000xi32, #tpu.memory_space<hbm>>
          %dma_wait3A_180 = arith.constant 0 : i32
          %dma_wait3A_181 = tpu.memref_slice %arg9[%run_scoped3A_45, %dma_wait3A_180] : memref<4x2000xi32, #tpu.memory_space<vmem>> -> memref<1x2000xi32, #tpu.memory_space<vmem>>
          %dma_wait3A_182 = tpu.memref_squeeze %dma_wait3A_181 : memref<1x2000xi32, #tpu.memory_space<vmem>> -> memref<2000xi32, #tpu.memory_space<vmem>>
          %dma_wait3A_183 = tpu.memref_slice %arg4[%run_scoped3A_44, %add3A_43] : memref<2x3200000xi32, #tpu.memory_space<hbm>> -> memref<1x2000xi32, #tpu.memory_space<hbm>>
          %dma_wait3A_184 = tpu.memref_squeeze %dma_wait3A_183 : memref<1x2000xi32, #tpu.memory_space<hbm>> -> memref<2000xi32, #tpu.memory_space<hbm>>
          tpu.wait_dma2 semaphore(%run_scoped3A_164 : memref<!tpu.dma_semaphore, #tpu.memory_space<semaphore_mem>>) src(%dma_wait3A_184 : memref<2000xi32, #tpu.memory_space<hbm>>) dst(%dma_wait3A_182 : memref<2000xi32, #tpu.memory_space<vmem>>)
          tpu.yield
        }) : () -> ()
        %add3A_46 = arith.constant 4000 : i32
        %add3A_47 = arith.addi %mul3A_30, %add3A_46 : i32
        %run_scoped3A_48 = arith.constant 0 : i32
        %run_scoped3A_49 = arith.constant 2 : i32
        "tpu.region"() ({
          %run_scoped3A_164 = tpu.sem_alloc : memref<!tpu.dma_semaphore, #tpu.memory_space<semaphore_mem>>
          %dma_start3A_165 = arith.constant 0 : i32
          %dma_start3A_166 = tpu.memref_slice %arg8[%run_scoped3A_49, %dma_start3A_165] : memref<4x2000xi32, #tpu.memory_space<vmem>> -> memref<1x2000xi32, #tpu.memory_space<vmem>>
          %dma_start3A_167 = tpu.memref_squeeze %dma_start3A_166 : memref<1x2000xi32, #tpu.memory_space<vmem>> -> memref<2000xi32, #tpu.memory_space<vmem>>
          %dma_start3A_168 = tpu.memref_slice %arg4[%run_scoped3A_48, %add3A_47] : memref<2x3200000xi32, #tpu.memory_space<hbm>> -> memref<1x2000xi32, #tpu.memory_space<hbm>>
          %dma_start3A_169 = tpu.memref_squeeze %dma_start3A_168 : memref<1x2000xi32, #tpu.memory_space<hbm>> -> memref<2000xi32, #tpu.memory_space<hbm>>
          %dma_start3A_170 = arith.constant 0 : i32
          %dma_start3A_171 = tpu.memref_slice %arg8[%run_scoped3A_49, %dma_start3A_170] : memref<4x2000xi32, #tpu.memory_space<vmem>> -> memref<1x2000xi32, #tpu.memory_space<vmem>>
          %dma_start3A_172 = tpu.memref_squeeze %dma_start3A_171 : memref<1x2000xi32, #tpu.memory_space<vmem>> -> memref<2000xi32, #tpu.memory_space<vmem>>
          %dma_start3A_173 = tpu.memref_slice %arg4[%run_scoped3A_48, %add3A_47] : memref<2x3200000xi32, #tpu.memory_space<hbm>> -> memref<1x2000xi32, #tpu.memory_space<hbm>>
          %dma_start3A_174 = tpu.memref_squeeze %dma_start3A_173 : memref<1x2000xi32, #tpu.memory_space<hbm>> -> memref<2000xi32, #tpu.memory_space<hbm>>
          tpu.enqueue_dma source(%dma_start3A_174 : memref<2000xi32, #tpu.memory_space<hbm>>) target(%dma_start3A_172 : memref<2000xi32, #tpu.memory_space<vmem>>) target_semaphore(%run_scoped3A_164 : memref<!tpu.dma_semaphore, #tpu.memory_space<semaphore_mem>>)
          %dma_wait3A_175 = arith.constant 0 : i32
          %dma_wait3A_176 = tpu.memref_slice %arg8[%run_scoped3A_49, %dma_wait3A_175] : memref<4x2000xi32, #tpu.memory_space<vmem>> -> memref<1x2000xi32, #tpu.memory_space<vmem>>
          %dma_wait3A_177 = tpu.memref_squeeze %dma_wait3A_176 : memref<1x2000xi32, #tpu.memory_space<vmem>> -> memref<2000xi32, #tpu.memory_space<vmem>>
          %dma_wait3A_178 = tpu.memref_slice %arg4[%run_scoped3A_48, %add3A_47] : memref<2x3200000xi32, #tpu.memory_space<hbm>> -> memref<1x2000xi32, #tpu.memory_space<hbm>>
          %dma_wait3A_179 = tpu.memref_squeeze %dma_wait3A_178 : memref<1x2000xi32, #tpu.memory_space<hbm>> -> memref<2000xi32, #tpu.memory_space<hbm>>
          %dma_wait3A_180 = arith.constant 0 : i32
          %dma_wait3A_181 = tpu.memref_slice %arg8[%run_scoped3A_49, %dma_wait3A_180] : memref<4x2000xi32, #tpu.memory_space<vmem>> -> memref<1x2000xi32, #tpu.memory_space<vmem>>
          %dma_wait3A_182 = tpu.memref_squeeze %dma_wait3A_181 : memref<1x2000xi32, #tpu.memory_space<vmem>> -> memref<2000xi32, #tpu.memory_space<vmem>>
          %dma_wait3A_183 = tpu.memref_slice %arg4[%run_scoped3A_48, %add3A_47] : memref<2x3200000xi32, #tpu.memory_space<hbm>> -> memref<1x2000xi32, #tpu.memory_space<hbm>>
          %dma_wait3A_184 = tpu.memref_squeeze %dma_wait3A_183 : memref<1x2000xi32, #tpu.memory_space<hbm>> -> memref<2000xi32, #tpu.memory_space<hbm>>
          tpu.wait_dma2 semaphore(%run_scoped3A_164 : memref<!tpu.dma_semaphore, #tpu.memory_space<semaphore_mem>>) src(%dma_wait3A_184 : memref<2000xi32, #tpu.memory_space<hbm>>) dst(%dma_wait3A_182 : memref<2000xi32, #tpu.memory_space<vmem>>)
          tpu.yield
        }) : () -> ()
        %add3A_50 = arith.constant 4000 : i32
        %add3A_51 = arith.addi %mul3A_30, %add3A_50 : i32
        %run_scoped3A_52 = arith.constant 1 : i32
        %run_scoped3A_53 = arith.constant 2 : i32
        "tpu.region"() ({
          %run_scoped3A_164 = tpu.sem_alloc : memref<!tpu.dma_semaphore, #tpu.memory_space<semaphore_mem>>
          %dma_start3A_165 = arith.constant 0 : i32
          %dma_start3A_166 = tpu.memref_slice %arg9[%run_scoped3A_53, %dma_start3A_165] : memref<4x2000xi32, #tpu.memory_space<vmem>> -> memref<1x2000xi32, #tpu.memory_space<vmem>>
          %dma_start3A_167 = tpu.memref_squeeze %dma_start3A_166 : memref<1x2000xi32, #tpu.memory_space<vmem>> -> memref<2000xi32, #tpu.memory_space<vmem>>
          %dma_start3A_168 = tpu.memref_slice %arg4[%run_scoped3A_52, %add3A_51] : memref<2x3200000xi32, #tpu.memory_space<hbm>> -> memref<1x2000xi32, #tpu.memory_space<hbm>>
          %dma_start3A_169 = tpu.memref_squeeze %dma_start3A_168 : memref<1x2000xi32, #tpu.memory_space<hbm>> -> memref<2000xi32, #tpu.memory_space<hbm>>
          %dma_start3A_170 = arith.constant 0 : i32
          %dma_start3A_171 = tpu.memref_slice %arg9[%run_scoped3A_53, %dma_start3A_170] : memref<4x2000xi32, #tpu.memory_space<vmem>> -> memref<1x2000xi32, #tpu.memory_space<vmem>>
          %dma_start3A_172 = tpu.memref_squeeze %dma_start3A_171 : memref<1x2000xi32, #tpu.memory_space<vmem>> -> memref<2000xi32, #tpu.memory_space<vmem>>
          %dma_start3A_173 = tpu.memref_slice %arg4[%run_scoped3A_52, %add3A_51] : memref<2x3200000xi32, #tpu.memory_space<hbm>> -> memref<1x2000xi32, #tpu.memory_space<hbm>>
          %dma_start3A_174 = tpu.memref_squeeze %dma_start3A_173 : memref<1x2000xi32, #tpu.memory_space<hbm>> -> memref<2000xi32, #tpu.memory_space<hbm>>
          tpu.enqueue_dma source(%dma_start3A_174 : memref<2000xi32, #tpu.memory_space<hbm>>) target(%dma_start3A_172 : memref<2000xi32, #tpu.memory_space<vmem>>) target_semaphore(%run_scoped3A_164 : memref<!tpu.dma_semaphore, #tpu.memory_space<semaphore_mem>>)
          %dma_wait3A_175 = arith.constant 0 : i32
          %dma_wait3A_176 = tpu.memref_slice %arg9[%run_scoped3A_53, %dma_wait3A_175] : memref<4x2000xi32, #tpu.memory_space<vmem>> -> memref<1x2000xi32, #tpu.memory_space<vmem>>
          %dma_wait3A_177 = tpu.memref_squeeze %dma_wait3A_176 : memref<1x2000xi32, #tpu.memory_space<vmem>> -> memref<2000xi32, #tpu.memory_space<vmem>>
          %dma_wait3A_178 = tpu.memref_slice %arg4[%run_scoped3A_52, %add3A_51] : memref<2x3200000xi32, #tpu.memory_space<hbm>> -> memref<1x2000xi32, #tpu.memory_space<hbm>>
          %dma_wait3A_179 = tpu.memref_squeeze %dma_wait3A_178 : memref<1x2000xi32, #tpu.memory_space<hbm>> -> memref<2000xi32, #tpu.memory_space<hbm>>
          %dma_wait3A_180 = arith.constant 0 : i32
          %dma_wait3A_181 = tpu.memref_slice %arg9[%run_scoped3A_53, %dma_wait3A_180] : memref<4x2000xi32, #tpu.memory_space<vmem>> -> memref<1x2000xi32, #tpu.memory_space<vmem>>
          %dma_wait3A_182 = tpu.memref_squeeze %dma_wait3A_181 : memref<1x2000xi32, #tpu.memory_space<vmem>> -> memref<2000xi32, #tpu.memory_space<vmem>>
          %dma_wait3A_183 = tpu.memref_slice %arg4[%run_scoped3A_52, %add3A_51] : memref<2x3200000xi32, #tpu.memory_space<hbm>> -> memref<1x2000xi32, #tpu.memory_space<hbm>>
          %dma_wait3A_184 = tpu.memref_squeeze %dma_wait3A_183 : memref<1x2000xi32, #tpu.memory_space<hbm>> -> memref<2000xi32, #tpu.memory_space<hbm>>
          tpu.wait_dma2 semaphore(%run_scoped3A_164 : memref<!tpu.dma_semaphore, #tpu.memory_space<semaphore_mem>>) src(%dma_wait3A_184 : memref<2000xi32, #tpu.memory_space<hbm>>) dst(%dma_wait3A_182 : memref<2000xi32, #tpu.memory_space<vmem>>)
          tpu.yield
        }) : () -> ()
        %add3A_54 = arith.constant 6000 : i32
        %add3A_55 = arith.addi %mul3A_30, %add3A_54 : i32
        %run_scoped3A_56 = arith.constant 0 : i32
        %run_scoped3A_57 = arith.constant 3 : i32
        "tpu.region"() ({
          %run_scoped3A_164 = tpu.sem_alloc : memref<!tpu.dma_semaphore, #tpu.memory_space<semaphore_mem>>
          %dma_start3A_165 = arith.constant 0 : i32
          %dma_start3A_166 = tpu.memref_slice %arg8[%run_scoped3A_57, %dma_start3A_165] : memref<4x2000xi32, #tpu.memory_space<vmem>> -> memref<1x2000xi32, #tpu.memory_space<vmem>>
          %dma_start3A_167 = tpu.memref_squeeze %dma_start3A_166 : memref<1x2000xi32, #tpu.memory_space<vmem>> -> memref<2000xi32, #tpu.memory_space<vmem>>
          %dma_start3A_168 = tpu.memref_slice %arg4[%run_scoped3A_56, %add3A_55] : memref<2x3200000xi32, #tpu.memory_space<hbm>> -> memref<1x2000xi32, #tpu.memory_space<hbm>>
          %dma_start3A_169 = tpu.memref_squeeze %dma_start3A_168 : memref<1x2000xi32, #tpu.memory_space<hbm>> -> memref<2000xi32, #tpu.memory_space<hbm>>
          %dma_start3A_170 = arith.constant 0 : i32
          %dma_start3A_171 = tpu.memref_slice %arg8[%run_scoped3A_57, %dma_start3A_170] : memref<4x2000xi32, #tpu.memory_space<vmem>> -> memref<1x2000xi32, #tpu.memory_space<vmem>>
          %dma_start3A_172 = tpu.memref_squeeze %dma_start3A_171 : memref<1x2000xi32, #tpu.memory_space<vmem>> -> memref<2000xi32, #tpu.memory_space<vmem>>
          %dma_start3A_173 = tpu.memref_slice %arg4[%run_scoped3A_56, %add3A_55] : memref<2x3200000xi32, #tpu.memory_space<hbm>> -> memref<1x2000xi32, #tpu.memory_space<hbm>>
          %dma_start3A_174 = tpu.memref_squeeze %dma_start3A_173 : memref<1x2000xi32, #tpu.memory_space<hbm>> -> memref<2000xi32, #tpu.memory_space<hbm>>
          tpu.enqueue_dma source(%dma_start3A_174 : memref<2000xi32, #tpu.memory_space<hbm>>) target(%dma_start3A_172 : memref<2000xi32, #tpu.memory_space<vmem>>) target_semaphore(%run_scoped3A_164 : memref<!tpu.dma_semaphore, #tpu.memory_space<semaphore_mem>>)
          %dma_wait3A_175 = arith.constant 0 : i32
          %dma_wait3A_176 = tpu.memref_slice %arg8[%run_scoped3A_57, %dma_wait3A_175] : memref<4x2000xi32, #tpu.memory_space<vmem>> -> memref<1x2000xi32, #tpu.memory_space<vmem>>
          %dma_wait3A_177 = tpu.memref_squeeze %dma_wait3A_176 : memref<1x2000xi32, #tpu.memory_space<vmem>> -> memref<2000xi32, #tpu.memory_space<vmem>>
          %dma_wait3A_178 = tpu.memref_slice %arg4[%run_scoped3A_56, %add3A_55] : memref<2x3200000xi32, #tpu.memory_space<hbm>> -> memref<1x2000xi32, #tpu.memory_space<hbm>>
          %dma_wait3A_179 = tpu.memref_squeeze %dma_wait3A_178 : memref<1x2000xi32, #tpu.memory_space<hbm>> -> memref<2000xi32, #tpu.memory_space<hbm>>
          %dma_wait3A_180 = arith.constant 0 : i32
          %dma_wait3A_181 = tpu.memref_slice %arg8[%run_scoped3A_57, %dma_wait3A_180] : memref<4x2000xi32, #tpu.memory_space<vmem>> -> memref<1x2000xi32, #tpu.memory_space<vmem>>
          %dma_wait3A_182 = tpu.memref_squeeze %dma_wait3A_181 : memref<1x2000xi32, #tpu.memory_space<vmem>> -> memref<2000xi32, #tpu.memory_space<vmem>>
          %dma_wait3A_183 = tpu.memref_slice %arg4[%run_scoped3A_56, %add3A_55] : memref<2x3200000xi32, #tpu.memory_space<hbm>> -> memref<1x2000xi32, #tpu.memory_space<hbm>>
          %dma_wait3A_184 = tpu.memref_squeeze %dma_wait3A_183 : memref<1x2000xi32, #tpu.memory_space<hbm>> -> memref<2000xi32, #tpu.memory_space<hbm>>
          tpu.wait_dma2 semaphore(%run_scoped3A_164 : memref<!tpu.dma_semaphore, #tpu.memory_space<semaphore_mem>>) src(%dma_wait3A_184 : memref<2000xi32, #tpu.memory_space<hbm>>) dst(%dma_wait3A_182 : memref<2000xi32, #tpu.memory_space<vmem>>)
          tpu.yield
        }) : () -> ()
        %add3A_58 = arith.constant 6000 : i32
        %add3A_59 = arith.addi %mul3A_30, %add3A_58 : i32
        %run_scoped3A_60 = arith.constant 1 : i32
        %run_scoped3A_61 = arith.constant 3 : i32
        "tpu.region"() ({
          %run_scoped3A_164 = tpu.sem_alloc : memref<!tpu.dma_semaphore, #tpu.memory_space<semaphore_mem>>
          %dma_start3A_165 = arith.constant 0 : i32
          %dma_start3A_166 = tpu.memref_slice %arg9[%run_scoped3A_61, %dma_start3A_165] : memref<4x2000xi32, #tpu.memory_space<vmem>> -> memref<1x2000xi32, #tpu.memory_space<vmem>>
          %dma_start3A_167 = tpu.memref_squeeze %dma_start3A_166 : memref<1x2000xi32, #tpu.memory_space<vmem>> -> memref<2000xi32, #tpu.memory_space<vmem>>
          %dma_start3A_168 = tpu.memref_slice %arg4[%run_scoped3A_60, %add3A_59] : memref<2x3200000xi32, #tpu.memory_space<hbm>> -> memref<1x2000xi32, #tpu.memory_space<hbm>>
          %dma_start3A_169 = tpu.memref_squeeze %dma_start3A_168 : memref<1x2000xi32, #tpu.memory_space<hbm>> -> memref<2000xi32, #tpu.memory_space<hbm>>
          %dma_start3A_170 = arith.constant 0 : i32
          %dma_start3A_171 = tpu.memref_slice %arg9[%run_scoped3A_61, %dma_start3A_170] : memref<4x2000xi32, #tpu.memory_space<vmem>> -> memref<1x2000xi32, #tpu.memory_space<vmem>>
          %dma_start3A_172 = tpu.memref_squeeze %dma_start3A_171 : memref<1x2000xi32, #tpu.memory_space<vmem>> -> memref<2000xi32, #tpu.memory_space<vmem>>
          %dma_start3A_173 = tpu.memref_slice %arg4[%run_scoped3A_60, %add3A_59] : memref<2x3200000xi32, #tpu.memory_space<hbm>> -> memref<1x2000xi32, #tpu.memory_space<hbm>>
          %dma_start3A_174 = tpu.memref_squeeze %dma_start3A_173 : memref<1x2000xi32, #tpu.memory_space<hbm>> -> memref<2000xi32, #tpu.memory_space<hbm>>
          tpu.enqueue_dma source(%dma_start3A_174 : memref<2000xi32, #tpu.memory_space<hbm>>) target(%dma_start3A_172 : memref<2000xi32, #tpu.memory_space<vmem>>) target_semaphore(%run_scoped3A_164 : memref<!tpu.dma_semaphore, #tpu.memory_space<semaphore_mem>>)
          %dma_wait3A_175 = arith.constant 0 : i32
          %dma_wait3A_176 = tpu.memref_slice %arg9[%run_scoped3A_61, %dma_wait3A_175] : memref<4x2000xi32, #tpu.memory_space<vmem>> -> memref<1x2000xi32, #tpu.memory_space<vmem>>
          %dma_wait3A_177 = tpu.memref_squeeze %dma_wait3A_176 : memref<1x2000xi32, #tpu.memory_space<vmem>> -> memref<2000xi32, #tpu.memory_space<vmem>>
          %dma_wait3A_178 = tpu.memref_slice %arg4[%run_scoped3A_60, %add3A_59] : memref<2x3200000xi32, #tpu.memory_space<hbm>> -> memref<1x2000xi32, #tpu.memory_space<hbm>>
          %dma_wait3A_179 = tpu.memref_squeeze %dma_wait3A_178 : memref<1x2000xi32, #tpu.memory_space<hbm>> -> memref<2000xi32, #tpu.memory_space<hbm>>
          %dma_wait3A_180 = arith.constant 0 : i32
          %dma_wait3A_181 = tpu.memref_slice %arg9[%run_scoped3A_61, %dma_wait3A_180] : memref<4x2000xi32, #tpu.memory_space<vmem>> -> memref<1x2000xi32, #tpu.memory_space<vmem>>
          %dma_wait3A_182 = tpu.memref_squeeze %dma_wait3A_181 : memref<1x2000xi32, #tpu.memory_space<vmem>> -> memref<2000xi32, #tpu.memory_space<vmem>>
          %dma_wait3A_183 = tpu.memref_slice %arg4[%run_scoped3A_60, %add3A_59] : memref<2x3200000xi32, #tpu.memory_space<hbm>> -> memref<1x2000xi32, #tpu.memory_space<hbm>>
          %dma_wait3A_184 = tpu.memref_squeeze %dma_wait3A_183 : memref<1x2000xi32, #tpu.memory_space<hbm>> -> memref<2000xi32, #tpu.memory_space<hbm>>
          tpu.wait_dma2 semaphore(%run_scoped3A_164 : memref<!tpu.dma_semaphore, #tpu.memory_space<semaphore_mem>>) src(%dma_wait3A_184 : memref<2000xi32, #tpu.memory_space<hbm>>) dst(%dma_wait3A_182 : memref<2000xi32, #tpu.memory_space<vmem>>)
          tpu.yield
        }) : () -> ()
        %dma_start3A = arith.constant 0 : i32
        %dma_start3A_62 = arith.constant 0 : i32
        %dma_start3A_63 = arith.constant 0 : i32
        %dma_start3A_64 = arith.constant 0 : i32
        %dma_start3A_65 = tpu.memref_slice %arg10[%dma_start3A_62, %dma_start3A_63, %dma_start3A_64] : memref<4x2000x8xf32, #tpu.memory_space<vmem>> -> memref<1x2000x8xf32, #tpu.memory_space<vmem>>
        %dma_start3A_66 = tpu.memref_squeeze %dma_start3A_65 : memref<1x2000x8xf32, #tpu.memory_space<vmem>> -> memref<2000x8xf32, #tpu.memory_space<vmem>>
        %dma_start3A_67 = arith.constant 0 : i32
        %dma_start3A_68 = tpu.memref_slice %arg8[%dma_start3A, %dma_start3A_67] : memref<4x2000xi32, #tpu.memory_space<vmem>> -> memref<1x2000xi32, #tpu.memory_space<vmem>>
        %dma_start3A_69 = tpu.memref_squeeze %dma_start3A_68 : memref<1x2000xi32, #tpu.memory_space<vmem>> -> memref<2000xi32, #tpu.memory_space<vmem>>
        %dma_start3A_70 = arith.constant 0 : i32
        %dma_start3A_71 = arith.constant 0 : i32
        %dma_start3A_72 = tpu.memref_slice %arg2[%dma_start3A_70, %dma_start3A_71] : memref<100000x8xf32, #tpu.memory_space<hbm>> -> memref<100000x8xf32, #tpu.memory_space<hbm>>
        tpu.enqueue_indirect_dma source(%dma_start3A_72 : memref<100000x8xf32, #tpu.memory_space<hbm>>) target(%dma_start3A_66 : memref<2000x8xf32, #tpu.memory_space<vmem>>) offsets(%dma_start3A_69 : memref<2000xi32, #tpu.memory_space<vmem>>) semaphore(%arg12 : memref<!tpu.dma_semaphore, #tpu.memory_space<semaphore_mem>>)
        %dma_start3A_73 = arith.constant 1 : i32
        %dma_start3A_74 = arith.constant 1 : i32
        %dma_start3A_75 = arith.constant 0 : i32
        %dma_start3A_76 = arith.constant 0 : i32
        %dma_start3A_77 = tpu.memref_slice %arg10[%dma_start3A_74, %dma_start3A_75, %dma_start3A_76] : memref<4x2000x8xf32, #tpu.memory_space<vmem>> -> memref<1x2000x8xf32, #tpu.memory_space<vmem>>
        %dma_start3A_78 = tpu.memref_squeeze %dma_start3A_77 : memref<1x2000x8xf32, #tpu.memory_space<vmem>> -> memref<2000x8xf32, #tpu.memory_space<vmem>>
        %dma_start3A_79 = arith.constant 0 : i32
        %dma_start3A_80 = tpu.memref_slice %arg8[%dma_start3A_73, %dma_start3A_79] : memref<4x2000xi32, #tpu.memory_space<vmem>> -> memref<1x2000xi32, #tpu.memory_space<vmem>>
        %dma_start3A_81 = tpu.memref_squeeze %dma_start3A_80 : memref<1x2000xi32, #tpu.memory_space<vmem>> -> memref<2000xi32, #tpu.memory_space<vmem>>
        %dma_start3A_82 = arith.constant 0 : i32
        %dma_start3A_83 = arith.constant 0 : i32
        %dma_start3A_84 = tpu.memref_slice %arg2[%dma_start3A_82, %dma_start3A_83] : memref<100000x8xf32, #tpu.memory_space<hbm>> -> memref<100000x8xf32, #tpu.memory_space<hbm>>
        tpu.enqueue_indirect_dma source(%dma_start3A_84 : memref<100000x8xf32, #tpu.memory_space<hbm>>) target(%dma_start3A_78 : memref<2000x8xf32, #tpu.memory_space<vmem>>) offsets(%dma_start3A_81 : memref<2000xi32, #tpu.memory_space<vmem>>) semaphore(%arg13 : memref<!tpu.dma_semaphore, #tpu.memory_space<semaphore_mem>>)
        %dma_start3A_85 = arith.constant 2 : i32
        %dma_start3A_86 = arith.constant 2 : i32
        %dma_start3A_87 = arith.constant 0 : i32
        %dma_start3A_88 = arith.constant 0 : i32
        %dma_start3A_89 = tpu.memref_slice %arg10[%dma_start3A_86, %dma_start3A_87, %dma_start3A_88] : memref<4x2000x8xf32, #tpu.memory_space<vmem>> -> memref<1x2000x8xf32, #tpu.memory_space<vmem>>
        %dma_start3A_90 = tpu.memref_squeeze %dma_start3A_89 : memref<1x2000x8xf32, #tpu.memory_space<vmem>> -> memref<2000x8xf32, #tpu.memory_space<vmem>>
        %dma_start3A_91 = arith.constant 0 : i32
        %dma_start3A_92 = tpu.memref_slice %arg8[%dma_start3A_85, %dma_start3A_91] : memref<4x2000xi32, #tpu.memory_space<vmem>> -> memref<1x2000xi32, #tpu.memory_space<vmem>>
        %dma_start3A_93 = tpu.memref_squeeze %dma_start3A_92 : memref<1x2000xi32, #tpu.memory_space<vmem>> -> memref<2000xi32, #tpu.memory_space<vmem>>
        %dma_start3A_94 = arith.constant 0 : i32
        %dma_start3A_95 = arith.constant 0 : i32
        %dma_start3A_96 = tpu.memref_slice %arg2[%dma_start3A_94, %dma_start3A_95] : memref<100000x8xf32, #tpu.memory_space<hbm>> -> memref<100000x8xf32, #tpu.memory_space<hbm>>
        tpu.enqueue_indirect_dma source(%dma_start3A_96 : memref<100000x8xf32, #tpu.memory_space<hbm>>) target(%dma_start3A_90 : memref<2000x8xf32, #tpu.memory_space<vmem>>) offsets(%dma_start3A_93 : memref<2000xi32, #tpu.memory_space<vmem>>) semaphore(%arg14 : memref<!tpu.dma_semaphore, #tpu.memory_space<semaphore_mem>>)
        %dma_start3A_97 = arith.constant 3 : i32
        %dma_start3A_98 = arith.constant 3 : i32
        %dma_start3A_99 = arith.constant 0 : i32
        %dma_start3A_100 = arith.constant 0 : i32
        %dma_start3A_101 = tpu.memref_slice %arg10[%dma_start3A_98, %dma_start3A_99, %dma_start3A_100] : memref<4x2000x8xf32, #tpu.memory_space<vmem>> -> memref<1x2000x8xf32, #tpu.memory_space<vmem>>
        %dma_start3A_102 = tpu.memref_squeeze %dma_start3A_101 : memref<1x2000x8xf32, #tpu.memory_space<vmem>> -> memref<2000x8xf32, #tpu.memory_space<vmem>>
        %dma_start3A_103 = arith.constant 0 : i32
        %dma_start3A_104 = tpu.memref_slice %arg8[%dma_start3A_97, %dma_start3A_103] : memref<4x2000xi32, #tpu.memory_space<vmem>> -> memref<1x2000xi32, #tpu.memory_space<vmem>>
        %dma_start3A_105 = tpu.memref_squeeze %dma_start3A_104 : memref<1x2000xi32, #tpu.memory_space<vmem>> -> memref<2000xi32, #tpu.memory_space<vmem>>
        %dma_start3A_106 = arith.constant 0 : i32
        %dma_start3A_107 = arith.constant 0 : i32
        %dma_start3A_108 = tpu.memref_slice %arg2[%dma_start3A_106, %dma_start3A_107] : memref<100000x8xf32, #tpu.memory_space<hbm>> -> memref<100000x8xf32, #tpu.memory_space<hbm>>
        tpu.enqueue_indirect_dma source(%dma_start3A_108 : memref<100000x8xf32, #tpu.memory_space<hbm>>) target(%dma_start3A_102 : memref<2000x8xf32, #tpu.memory_space<vmem>>) offsets(%dma_start3A_105 : memref<2000xi32, #tpu.memory_space<vmem>>) semaphore(%arg15 : memref<!tpu.dma_semaphore, #tpu.memory_space<semaphore_mem>>)
        %dma_wait3A = arith.constant 0 : i32
        %dma_wait3A_109 = arith.constant 0 : i32
        %dma_wait3A_110 = arith.constant 0 : i32
        %dma_wait3A_111 = arith.constant 0 : i32
        %dma_wait3A_112 = tpu.memref_slice %arg10[%dma_wait3A_109, %dma_wait3A_110, %dma_wait3A_111] : memref<4x2000x8xf32, #tpu.memory_space<vmem>> -> memref<1x2000x8xf32, #tpu.memory_space<vmem>>
        %dma_wait3A_113 = tpu.memref_squeeze %dma_wait3A_112 : memref<1x2000x8xf32, #tpu.memory_space<vmem>> -> memref<2000x8xf32, #tpu.memory_space<vmem>>
        %dma_wait3A_114 = arith.constant 0 : i32
        %dma_wait3A_115 = tpu.memref_slice %arg8[%dma_wait3A, %dma_wait3A_114] : memref<4x2000xi32, #tpu.memory_space<vmem>> -> memref<1x2000xi32, #tpu.memory_space<vmem>>
        %dma_wait3A_116 = tpu.memref_squeeze %dma_wait3A_115 : memref<1x2000xi32, #tpu.memory_space<vmem>> -> memref<2000xi32, #tpu.memory_space<vmem>>
        %dma_wait3A_117 = arith.constant 0 : i32
        %dma_wait3A_118 = arith.constant 0 : i32
        %dma_wait3A_119 = tpu.memref_slice %arg2[%dma_wait3A_117, %dma_wait3A_118] : memref<100000x8xf32, #tpu.memory_space<hbm>> -> memref<100000x8xf32, #tpu.memory_space<hbm>>
        tpu.wait_indirect_dma semaphore(%arg12 : memref<!tpu.dma_semaphore, #tpu.memory_space<semaphore_mem>>) src(%dma_wait3A_119 : memref<100000x8xf32, #tpu.memory_space<hbm>>) dst(%dma_wait3A_113 : memref<2000x8xf32, #tpu.memory_space<vmem>>)
        %run_scoped3A_120 = arith.constant 0 : i32
        %run_scoped3A_121 = arith.constant 0 : i32
        "tpu.region"() ({
          %run_scoped3A_164 = tpu.sem_alloc : memref<!tpu.dma_semaphore, #tpu.memory_space<semaphore_mem>>
          %dma_start3A_165 = arith.constant 0 : i32
          %dma_start3A_166 = arith.constant 0 : i32
          %dma_start3A_167 = tpu.memref_slice %arg10[%run_scoped3A_120, %dma_start3A_165, %dma_start3A_166] : memref<4x2000x8xf32, #tpu.memory_space<vmem>> -> memref<1x2000x8xf32, #tpu.memory_space<vmem>>
          %dma_start3A_168 = tpu.memref_squeeze %dma_start3A_167 : memref<1x2000x8xf32, #tpu.memory_space<vmem>> -> memref<2000x8xf32, #tpu.memory_space<vmem>>
          %dma_start3A_169 = arith.constant 0 : i32
          %dma_start3A_170 = tpu.memref_slice %arg9[%run_scoped3A_121, %dma_start3A_169] : memref<4x2000xi32, #tpu.memory_space<vmem>> -> memref<1x2000xi32, #tpu.memory_space<vmem>>
          %dma_start3A_171 = tpu.memref_squeeze %dma_start3A_170 : memref<1x2000xi32, #tpu.memory_space<vmem>> -> memref<2000xi32, #tpu.memory_space<vmem>>
          %dma_start3A_172 = arith.constant 0 : i32
          %dma_start3A_173 = arith.constant 0 : i32
          %dma_start3A_174 = tpu.memref_slice %arg11[%dma_start3A_172, %dma_start3A_173] : memref<100096x8xf32, #tpu.memory_space<vmem_shared>> -> memref<100096x8xf32, #tpu.memory_space<vmem_shared>>
          tpu.enqueue_indirect_dma source(%dma_start3A_168 : memref<2000x8xf32, #tpu.memory_space<vmem>>) target(%dma_start3A_174 : memref<100096x8xf32, #tpu.memory_space<vmem_shared>>) offsets(%dma_start3A_171 : memref<2000xi32, #tpu.memory_space<vmem>>) semaphore(%run_scoped3A_164 : memref<!tpu.dma_semaphore, #tpu.memory_space<semaphore_mem>>) {add = true}
          %dma_wait3A_175 = arith.constant 0 : i32
          %dma_wait3A_176 = arith.constant 0 : i32
          %dma_wait3A_177 = tpu.memref_slice %arg10[%run_scoped3A_120, %dma_wait3A_175, %dma_wait3A_176] : memref<4x2000x8xf32, #tpu.memory_space<vmem>> -> memref<1x2000x8xf32, #tpu.memory_space<vmem>>
          %dma_wait3A_178 = tpu.memref_squeeze %dma_wait3A_177 : memref<1x2000x8xf32, #tpu.memory_space<vmem>> -> memref<2000x8xf32, #tpu.memory_space<vmem>>
          %dma_wait3A_179 = arith.constant 0 : i32
          %dma_wait3A_180 = tpu.memref_slice %arg9[%run_scoped3A_121, %dma_wait3A_179] : memref<4x2000xi32, #tpu.memory_space<vmem>> -> memref<1x2000xi32, #tpu.memory_space<vmem>>
          %dma_wait3A_181 = tpu.memref_squeeze %dma_wait3A_180 : memref<1x2000xi32, #tpu.memory_space<vmem>> -> memref<2000xi32, #tpu.memory_space<vmem>>
          %dma_wait3A_182 = arith.constant 0 : i32
          %dma_wait3A_183 = arith.constant 0 : i32
          %dma_wait3A_184 = tpu.memref_slice %arg11[%dma_wait3A_182, %dma_wait3A_183] : memref<100096x8xf32, #tpu.memory_space<vmem_shared>> -> memref<100096x8xf32, #tpu.memory_space<vmem_shared>>
          tpu.wait_indirect_dma semaphore(%run_scoped3A_164 : memref<!tpu.dma_semaphore, #tpu.memory_space<semaphore_mem>>) src(%dma_wait3A_178 : memref<2000x8xf32, #tpu.memory_space<vmem>>) dst(%dma_wait3A_184 : memref<100096x8xf32, #tpu.memory_space<vmem_shared>>)
          tpu.yield
        }) : () -> ()
        %dma_wait3A_122 = arith.constant 1 : i32
        %dma_wait3A_123 = arith.constant 1 : i32
        %dma_wait3A_124 = arith.constant 0 : i32
        %dma_wait3A_125 = arith.constant 0 : i32
        %dma_wait3A_126 = tpu.memref_slice %arg10[%dma_wait3A_123, %dma_wait3A_124, %dma_wait3A_125] : memref<4x2000x8xf32, #tpu.memory_space<vmem>> -> memref<1x2000x8xf32, #tpu.memory_space<vmem>>
        %dma_wait3A_127 = tpu.memref_squeeze %dma_wait3A_126 : memref<1x2000x8xf32, #tpu.memory_space<vmem>> -> memref<2000x8xf32, #tpu.memory_space<vmem>>
        %dma_wait3A_128 = arith.constant 0 : i32
        %dma_wait3A_129 = tpu.memref_slice %arg8[%dma_wait3A_122, %dma_wait3A_128] : memref<4x2000xi32, #tpu.memory_space<vmem>> -> memref<1x2000xi32, #tpu.memory_space<vmem>>
        %dma_wait3A_130 = tpu.memref_squeeze %dma_wait3A_129 : memref<1x2000xi32, #tpu.memory_space<vmem>> -> memref<2000xi32, #tpu.memory_space<vmem>>
        %dma_wait3A_131 = arith.constant 0 : i32
        %dma_wait3A_132 = arith.constant 0 : i32
        %dma_wait3A_133 = tpu.memref_slice %arg2[%dma_wait3A_131, %dma_wait3A_132] : memref<100000x8xf32, #tpu.memory_space<hbm>> -> memref<100000x8xf32, #tpu.memory_space<hbm>>
        tpu.wait_indirect_dma semaphore(%arg13 : memref<!tpu.dma_semaphore, #tpu.memory_space<semaphore_mem>>) src(%dma_wait3A_133 : memref<100000x8xf32, #tpu.memory_space<hbm>>) dst(%dma_wait3A_127 : memref<2000x8xf32, #tpu.memory_space<vmem>>)
        %run_scoped3A_134 = arith.constant 1 : i32
        %run_scoped3A_135 = arith.constant 1 : i32
        "tpu.region"() ({
          %run_scoped3A_164 = tpu.sem_alloc : memref<!tpu.dma_semaphore, #tpu.memory_space<semaphore_mem>>
          %dma_start3A_165 = arith.constant 0 : i32
          %dma_start3A_166 = arith.constant 0 : i32
          %dma_start3A_167 = tpu.memref_slice %arg10[%run_scoped3A_134, %dma_start3A_165, %dma_start3A_166] : memref<4x2000x8xf32, #tpu.memory_space<vmem>> -> memref<1x2000x8xf32, #tpu.memory_space<vmem>>
          %dma_start3A_168 = tpu.memref_squeeze %dma_start3A_167 : memref<1x2000x8xf32, #tpu.memory_space<vmem>> -> memref<2000x8xf32, #tpu.memory_space<vmem>>
          %dma_start3A_169 = arith.constant 0 : i32
          %dma_start3A_170 = tpu.memref_slice %arg9[%run_scoped3A_135, %dma_start3A_169] : memref<4x2000xi32, #tpu.memory_space<vmem>> -> memref<1x2000xi32, #tpu.memory_space<vmem>>
          %dma_start3A_171 = tpu.memref_squeeze %dma_start3A_170 : memref<1x2000xi32, #tpu.memory_space<vmem>> -> memref<2000xi32, #tpu.memory_space<vmem>>
          %dma_start3A_172 = arith.constant 0 : i32
          %dma_start3A_173 = arith.constant 0 : i32
          %dma_start3A_174 = tpu.memref_slice %arg11[%dma_start3A_172, %dma_start3A_173] : memref<100096x8xf32, #tpu.memory_space<vmem_shared>> -> memref<100096x8xf32, #tpu.memory_space<vmem_shared>>
          tpu.enqueue_indirect_dma source(%dma_start3A_168 : memref<2000x8xf32, #tpu.memory_space<vmem>>) target(%dma_start3A_174 : memref<100096x8xf32, #tpu.memory_space<vmem_shared>>) offsets(%dma_start3A_171 : memref<2000xi32, #tpu.memory_space<vmem>>) semaphore(%run_scoped3A_164 : memref<!tpu.dma_semaphore, #tpu.memory_space<semaphore_mem>>) {add = true}
          %dma_wait3A_175 = arith.constant 0 : i32
          %dma_wait3A_176 = arith.constant 0 : i32
          %dma_wait3A_177 = tpu.memref_slice %arg10[%run_scoped3A_134, %dma_wait3A_175, %dma_wait3A_176] : memref<4x2000x8xf32, #tpu.memory_space<vmem>> -> memref<1x2000x8xf32, #tpu.memory_space<vmem>>
          %dma_wait3A_178 = tpu.memref_squeeze %dma_wait3A_177 : memref<1x2000x8xf32, #tpu.memory_space<vmem>> -> memref<2000x8xf32, #tpu.memory_space<vmem>>
          %dma_wait3A_179 = arith.constant 0 : i32
          %dma_wait3A_180 = tpu.memref_slice %arg9[%run_scoped3A_135, %dma_wait3A_179] : memref<4x2000xi32, #tpu.memory_space<vmem>> -> memref<1x2000xi32, #tpu.memory_space<vmem>>
          %dma_wait3A_181 = tpu.memref_squeeze %dma_wait3A_180 : memref<1x2000xi32, #tpu.memory_space<vmem>> -> memref<2000xi32, #tpu.memory_space<vmem>>
          %dma_wait3A_182 = arith.constant 0 : i32
          %dma_wait3A_183 = arith.constant 0 : i32
          %dma_wait3A_184 = tpu.memref_slice %arg11[%dma_wait3A_182, %dma_wait3A_183] : memref<100096x8xf32, #tpu.memory_space<vmem_shared>> -> memref<100096x8xf32, #tpu.memory_space<vmem_shared>>
          tpu.wait_indirect_dma semaphore(%run_scoped3A_164 : memref<!tpu.dma_semaphore, #tpu.memory_space<semaphore_mem>>) src(%dma_wait3A_178 : memref<2000x8xf32, #tpu.memory_space<vmem>>) dst(%dma_wait3A_184 : memref<100096x8xf32, #tpu.memory_space<vmem_shared>>)
          tpu.yield
        }) : () -> ()
        %dma_wait3A_136 = arith.constant 2 : i32
        %dma_wait3A_137 = arith.constant 2 : i32
        %dma_wait3A_138 = arith.constant 0 : i32
        %dma_wait3A_139 = arith.constant 0 : i32
        %dma_wait3A_140 = tpu.memref_slice %arg10[%dma_wait3A_137, %dma_wait3A_138, %dma_wait3A_139] : memref<4x2000x8xf32, #tpu.memory_space<vmem>> -> memref<1x2000x8xf32, #tpu.memory_space<vmem>>
        %dma_wait3A_141 = tpu.memref_squeeze %dma_wait3A_140 : memref<1x2000x8xf32, #tpu.memory_space<vmem>> -> memref<2000x8xf32, #tpu.memory_space<vmem>>
        %dma_wait3A_142 = arith.constant 0 : i32
        %dma_wait3A_143 = tpu.memref_slice %arg8[%dma_wait3A_136, %dma_wait3A_142] : memref<4x2000xi32, #tpu.memory_space<vmem>> -> memref<1x2000xi32, #tpu.memory_space<vmem>>
        %dma_wait3A_144 = tpu.memref_squeeze %dma_wait3A_143 : memref<1x2000xi32, #tpu.memory_space<vmem>> -> memref<2000xi32, #tpu.memory_space<vmem>>
        %dma_wait3A_145 = arith.constant 0 : i32
        %dma_wait3A_146 = arith.constant 0 : i32
        %dma_wait3A_147 = tpu.memref_slice %arg2[%dma_wait3A_145, %dma_wait3A_146] : memref<100000x8xf32, #tpu.memory_space<hbm>> -> memref<100000x8xf32, #tpu.memory_space<hbm>>
        tpu.wait_indirect_dma semaphore(%arg14 : memref<!tpu.dma_semaphore, #tpu.memory_space<semaphore_mem>>) src(%dma_wait3A_147 : memref<100000x8xf32, #tpu.memory_space<hbm>>) dst(%dma_wait3A_141 : memref<2000x8xf32, #tpu.memory_space<vmem>>)
        %run_scoped3A_148 = arith.constant 2 : i32
        %run_scoped3A_149 = arith.constant 2 : i32
        "tpu.region"() ({
          %run_scoped3A_164 = tpu.sem_alloc : memref<!tpu.dma_semaphore, #tpu.memory_space<semaphore_mem>>
          %dma_start3A_165 = arith.constant 0 : i32
          %dma_start3A_166 = arith.constant 0 : i32
          %dma_start3A_167 = tpu.memref_slice %arg10[%run_scoped3A_148, %dma_start3A_165, %dma_start3A_166] : memref<4x2000x8xf32, #tpu.memory_space<vmem>> -> memref<1x2000x8xf32, #tpu.memory_space<vmem>>
          %dma_start3A_168 = tpu.memref_squeeze %dma_start3A_167 : memref<1x2000x8xf32, #tpu.memory_space<vmem>> -> memref<2000x8xf32, #tpu.memory_space<vmem>>
          %dma_start3A_169 = arith.constant 0 : i32
          %dma_start3A_170 = tpu.memref_slice %arg9[%run_scoped3A_149, %dma_start3A_169] : memref<4x2000xi32, #tpu.memory_space<vmem>> -> memref<1x2000xi32, #tpu.memory_space<vmem>>
          %dma_start3A_171 = tpu.memref_squeeze %dma_start3A_170 : memref<1x2000xi32, #tpu.memory_space<vmem>> -> memref<2000xi32, #tpu.memory_space<vmem>>
          %dma_start3A_172 = arith.constant 0 : i32
          %dma_start3A_173 = arith.constant 0 : i32
          %dma_start3A_174 = tpu.memref_slice %arg11[%dma_start3A_172, %dma_start3A_173] : memref<100096x8xf32, #tpu.memory_space<vmem_shared>> -> memref<100096x8xf32, #tpu.memory_space<vmem_shared>>
          tpu.enqueue_indirect_dma source(%dma_start3A_168 : memref<2000x8xf32, #tpu.memory_space<vmem>>) target(%dma_start3A_174 : memref<100096x8xf32, #tpu.memory_space<vmem_shared>>) offsets(%dma_start3A_171 : memref<2000xi32, #tpu.memory_space<vmem>>) semaphore(%run_scoped3A_164 : memref<!tpu.dma_semaphore, #tpu.memory_space<semaphore_mem>>) {add = true}
          %dma_wait3A_175 = arith.constant 0 : i32
          %dma_wait3A_176 = arith.constant 0 : i32
          %dma_wait3A_177 = tpu.memref_slice %arg10[%run_scoped3A_148, %dma_wait3A_175, %dma_wait3A_176] : memref<4x2000x8xf32, #tpu.memory_space<vmem>> -> memref<1x2000x8xf32, #tpu.memory_space<vmem>>
          %dma_wait3A_178 = tpu.memref_squeeze %dma_wait3A_177 : memref<1x2000x8xf32, #tpu.memory_space<vmem>> -> memref<2000x8xf32, #tpu.memory_space<vmem>>
          %dma_wait3A_179 = arith.constant 0 : i32
          %dma_wait3A_180 = tpu.memref_slice %arg9[%run_scoped3A_149, %dma_wait3A_179] : memref<4x2000xi32, #tpu.memory_space<vmem>> -> memref<1x2000xi32, #tpu.memory_space<vmem>>
          %dma_wait3A_181 = tpu.memref_squeeze %dma_wait3A_180 : memref<1x2000xi32, #tpu.memory_space<vmem>> -> memref<2000xi32, #tpu.memory_space<vmem>>
          %dma_wait3A_182 = arith.constant 0 : i32
          %dma_wait3A_183 = arith.constant 0 : i32
          %dma_wait3A_184 = tpu.memref_slice %arg11[%dma_wait3A_182, %dma_wait3A_183] : memref<100096x8xf32, #tpu.memory_space<vmem_shared>> -> memref<100096x8xf32, #tpu.memory_space<vmem_shared>>
          tpu.wait_indirect_dma semaphore(%run_scoped3A_164 : memref<!tpu.dma_semaphore, #tpu.memory_space<semaphore_mem>>) src(%dma_wait3A_178 : memref<2000x8xf32, #tpu.memory_space<vmem>>) dst(%dma_wait3A_184 : memref<100096x8xf32, #tpu.memory_space<vmem_shared>>)
          tpu.yield
        }) : () -> ()
        %dma_wait3A_150 = arith.constant 3 : i32
        %dma_wait3A_151 = arith.constant 3 : i32
        %dma_wait3A_152 = arith.constant 0 : i32
        %dma_wait3A_153 = arith.constant 0 : i32
        %dma_wait3A_154 = tpu.memref_slice %arg10[%dma_wait3A_151, %dma_wait3A_152, %dma_wait3A_153] : memref<4x2000x8xf32, #tpu.memory_space<vmem>> -> memref<1x2000x8xf32, #tpu.memory_space<vmem>>
        %dma_wait3A_155 = tpu.memref_squeeze %dma_wait3A_154 : memref<1x2000x8xf32, #tpu.memory_space<vmem>> -> memref<2000x8xf32, #tpu.memory_space<vmem>>
        %dma_wait3A_156 = arith.constant 0 : i32
        %dma_wait3A_157 = tpu.memref_slice %arg8[%dma_wait3A_150, %dma_wait3A_156] : memref<4x2000xi32, #tpu.memory_space<vmem>> -> memref<1x2000xi32, #tpu.memory_space<vmem>>
        %dma_wait3A_158 = tpu.memref_squeeze %dma_wait3A_157 : memref<1x2000xi32, #tpu.memory_space<vmem>> -> memref<2000xi32, #tpu.memory_space<vmem>>
        %dma_wait3A_159 = arith.constant 0 : i32
        %dma_wait3A_160 = arith.constant 0 : i32
        %dma_wait3A_161 = tpu.memref_slice %arg2[%dma_wait3A_159, %dma_wait3A_160] : memref<100000x8xf32, #tpu.memory_space<hbm>> -> memref<100000x8xf32, #tpu.memory_space<hbm>>
        tpu.wait_indirect_dma semaphore(%arg15 : memref<!tpu.dma_semaphore, #tpu.memory_space<semaphore_mem>>) src(%dma_wait3A_161 : memref<100000x8xf32, #tpu.memory_space<hbm>>) dst(%dma_wait3A_155 : memref<2000x8xf32, #tpu.memory_space<vmem>>)
        %run_scoped3A_162 = arith.constant 3 : i32
        %run_scoped3A_163 = arith.constant 3 : i32
        "tpu.region"() ({
          %run_scoped3A_164 = tpu.sem_alloc : memref<!tpu.dma_semaphore, #tpu.memory_space<semaphore_mem>>
          %dma_start3A_165 = arith.constant 0 : i32
          %dma_start3A_166 = arith.constant 0 : i32
          %dma_start3A_167 = tpu.memref_slice %arg10[%run_scoped3A_162, %dma_start3A_165, %dma_start3A_166] : memref<4x2000x8xf32, #tpu.memory_space<vmem>> -> memref<1x2000x8xf32, #tpu.memory_space<vmem>>
          %dma_start3A_168 = tpu.memref_squeeze %dma_start3A_167 : memref<1x2000x8xf32, #tpu.memory_space<vmem>> -> memref<2000x8xf32, #tpu.memory_space<vmem>>
          %dma_start3A_169 = arith.constant 0 : i32
          %dma_start3A_170 = tpu.memref_slice %arg9[%run_scoped3A_163, %dma_start3A_169] : memref<4x2000xi32, #tpu.memory_space<vmem>> -> memref<1x2000xi32, #tpu.memory_space<vmem>>
          %dma_start3A_171 = tpu.memref_squeeze %dma_start3A_170 : memref<1x2000xi32, #tpu.memory_space<vmem>> -> memref<2000xi32, #tpu.memory_space<vmem>>
          %dma_start3A_172 = arith.constant 0 : i32
          %dma_start3A_173 = arith.constant 0 : i32
          %dma_start3A_174 = tpu.memref_slice %arg11[%dma_start3A_172, %dma_start3A_173] : memref<100096x8xf32, #tpu.memory_space<vmem_shared>> -> memref<100096x8xf32, #tpu.memory_space<vmem_shared>>
          tpu.enqueue_indirect_dma source(%dma_start3A_168 : memref<2000x8xf32, #tpu.memory_space<vmem>>) target(%dma_start3A_174 : memref<100096x8xf32, #tpu.memory_space<vmem_shared>>) offsets(%dma_start3A_171 : memref<2000xi32, #tpu.memory_space<vmem>>) semaphore(%run_scoped3A_164 : memref<!tpu.dma_semaphore, #tpu.memory_space<semaphore_mem>>) {add = true}
          %dma_wait3A_175 = arith.constant 0 : i32
          %dma_wait3A_176 = arith.constant 0 : i32
          %dma_wait3A_177 = tpu.memref_slice %arg10[%run_scoped3A_162, %dma_wait3A_175, %dma_wait3A_176] : memref<4x2000x8xf32, #tpu.memory_space<vmem>> -> memref<1x2000x8xf32, #tpu.memory_space<vmem>>
          %dma_wait3A_178 = tpu.memref_squeeze %dma_wait3A_177 : memref<1x2000x8xf32, #tpu.memory_space<vmem>> -> memref<2000x8xf32, #tpu.memory_space<vmem>>
          %dma_wait3A_179 = arith.constant 0 : i32
          %dma_wait3A_180 = tpu.memref_slice %arg9[%run_scoped3A_163, %dma_wait3A_179] : memref<4x2000xi32, #tpu.memory_space<vmem>> -> memref<1x2000xi32, #tpu.memory_space<vmem>>
          %dma_wait3A_181 = tpu.memref_squeeze %dma_wait3A_180 : memref<1x2000xi32, #tpu.memory_space<vmem>> -> memref<2000xi32, #tpu.memory_space<vmem>>
          %dma_wait3A_182 = arith.constant 0 : i32
          %dma_wait3A_183 = arith.constant 0 : i32
          %dma_wait3A_184 = tpu.memref_slice %arg11[%dma_wait3A_182, %dma_wait3A_183] : memref<100096x8xf32, #tpu.memory_space<vmem_shared>> -> memref<100096x8xf32, #tpu.memory_space<vmem_shared>>
          tpu.wait_indirect_dma semaphore(%run_scoped3A_164 : memref<!tpu.dma_semaphore, #tpu.memory_space<semaphore_mem>>) src(%dma_wait3A_178 : memref<2000x8xf32, #tpu.memory_space<vmem>>) dst(%dma_wait3A_184 : memref<100096x8xf32, #tpu.memory_space<vmem_shared>>)
          tpu.yield
        }) : () -> ()
      }
      %scan3A_25 = arith.constant 25 : i32
    } else {
    }
    %eq3A_3 = arith.constant 1 : i32
    %eq3A_4 = arith.cmpi eq, %arg0, %eq3A_3 : i32
    %convert_element_type3A_5 = arith.extui %eq3A_4 : i1 to i32
    %cond3A_6 = arith.constant 0 : i32
    %cond3A_7 = arith.cmpi ne, %convert_element_type3A_5, %cond3A_6 : i32
    scf.if %cond3A_7 {
      %mul3A_19 = arith.constant 100 : i32
      %mul3A_20 = arith.muli %arg1, %mul3A_19 : i32
      %scan3A = arith.constant 0 : i32
      %scan3A_21 = arith.constant 0 : i32
      %scan3A_22 = arith.constant 25 : i32
      %scan3A_23 = arith.addi %scan3A_21, %scan3A_22 : i32
      %scan3A_24 = arith.constant 1 : i32
      scf.for %scan3A_26 = %scan3A_21 to %scan3A_23 step %scan3A_24  : i32 {
        %mul3A_27 = arith.constant 4 : i32
        %mul3A_28 = arith.muli %scan3A_26, %mul3A_27 : i32
        %add3A = arith.addi %mul3A_20, %mul3A_28 : i32
        %mul3A_29 = arith.constant 2000 : i32
        %mul3A_30 = arith.muli %add3A, %mul3A_29 : i32
        %add3A_31 = arith.constant 0 : i32
        %add3A_32 = arith.addi %mul3A_30, %add3A_31 : i32
        %run_scoped3A = arith.constant 0 : i32
        %run_scoped3A_33 = arith.constant 0 : i32
        "tpu.region"() ({
          %run_scoped3A_164 = tpu.sem_alloc : memref<!tpu.dma_semaphore, #tpu.memory_space<semaphore_mem>>
          %dma_start3A_165 = arith.constant 0 : i32
          %dma_start3A_166 = tpu.memref_slice %arg8[%run_scoped3A_33, %dma_start3A_165] : memref<4x2000xi32, #tpu.memory_space<vmem>> -> memref<1x2000xi32, #tpu.memory_space<vmem>>
          %dma_start3A_167 = tpu.memref_squeeze %dma_start3A_166 : memref<1x2000xi32, #tpu.memory_space<vmem>> -> memref<2000xi32, #tpu.memory_space<vmem>>
          %dma_start3A_168 = tpu.memref_slice %arg5[%run_scoped3A, %add3A_32] : memref<2x3200000xi32, #tpu.memory_space<hbm>> -> memref<1x2000xi32, #tpu.memory_space<hbm>>
          %dma_start3A_169 = tpu.memref_squeeze %dma_start3A_168 : memref<1x2000xi32, #tpu.memory_space<hbm>> -> memref<2000xi32, #tpu.memory_space<hbm>>
          %dma_start3A_170 = arith.constant 0 : i32
          %dma_start3A_171 = tpu.memref_slice %arg8[%run_scoped3A_33, %dma_start3A_170] : memref<4x2000xi32, #tpu.memory_space<vmem>> -> memref<1x2000xi32, #tpu.memory_space<vmem>>
          %dma_start3A_172 = tpu.memref_squeeze %dma_start3A_171 : memref<1x2000xi32, #tpu.memory_space<vmem>> -> memref<2000xi32, #tpu.memory_space<vmem>>
          %dma_start3A_173 = tpu.memref_slice %arg5[%run_scoped3A, %add3A_32] : memref<2x3200000xi32, #tpu.memory_space<hbm>> -> memref<1x2000xi32, #tpu.memory_space<hbm>>
          %dma_start3A_174 = tpu.memref_squeeze %dma_start3A_173 : memref<1x2000xi32, #tpu.memory_space<hbm>> -> memref<2000xi32, #tpu.memory_space<hbm>>
          tpu.enqueue_dma source(%dma_start3A_174 : memref<2000xi32, #tpu.memory_space<hbm>>) target(%dma_start3A_172 : memref<2000xi32, #tpu.memory_space<vmem>>) target_semaphore(%run_scoped3A_164 : memref<!tpu.dma_semaphore, #tpu.memory_space<semaphore_mem>>)
          %dma_wait3A_175 = arith.constant 0 : i32
          %dma_wait3A_176 = tpu.memref_slice %arg8[%run_scoped3A_33, %dma_wait3A_175] : memref<4x2000xi32, #tpu.memory_space<vmem>> -> memref<1x2000xi32, #tpu.memory_space<vmem>>
          %dma_wait3A_177 = tpu.memref_squeeze %dma_wait3A_176 : memref<1x2000xi32, #tpu.memory_space<vmem>> -> memref<2000xi32, #tpu.memory_space<vmem>>
          %dma_wait3A_178 = tpu.memref_slice %arg5[%run_scoped3A, %add3A_32] : memref<2x3200000xi32, #tpu.memory_space<hbm>> -> memref<1x2000xi32, #tpu.memory_space<hbm>>
          %dma_wait3A_179 = tpu.memref_squeeze %dma_wait3A_178 : memref<1x2000xi32, #tpu.memory_space<hbm>> -> memref<2000xi32, #tpu.memory_space<hbm>>
          %dma_wait3A_180 = arith.constant 0 : i32
          %dma_wait3A_181 = tpu.memref_slice %arg8[%run_scoped3A_33, %dma_wait3A_180] : memref<4x2000xi32, #tpu.memory_space<vmem>> -> memref<1x2000xi32, #tpu.memory_space<vmem>>
          %dma_wait3A_182 = tpu.memref_squeeze %dma_wait3A_181 : memref<1x2000xi32, #tpu.memory_space<vmem>> -> memref<2000xi32, #tpu.memory_space<vmem>>
          %dma_wait3A_183 = tpu.memref_slice %arg5[%run_scoped3A, %add3A_32] : memref<2x3200000xi32, #tpu.memory_space<hbm>> -> memref<1x2000xi32, #tpu.memory_space<hbm>>
          %dma_wait3A_184 = tpu.memref_squeeze %dma_wait3A_183 : memref<1x2000xi32, #tpu.memory_space<hbm>> -> memref<2000xi32, #tpu.memory_space<hbm>>
          tpu.wait_dma2 semaphore(%run_scoped3A_164 : memref<!tpu.dma_semaphore, #tpu.memory_space<semaphore_mem>>) src(%dma_wait3A_184 : memref<2000xi32, #tpu.memory_space<hbm>>) dst(%dma_wait3A_182 : memref<2000xi32, #tpu.memory_space<vmem>>)
          tpu.yield
        }) : () -> ()
        %add3A_34 = arith.constant 0 : i32
        %add3A_35 = arith.addi %mul3A_30, %add3A_34 : i32
        %run_scoped3A_36 = arith.constant 1 : i32
        %run_scoped3A_37 = arith.constant 0 : i32
        "tpu.region"() ({
          %run_scoped3A_164 = tpu.sem_alloc : memref<!tpu.dma_semaphore, #tpu.memory_space<semaphore_mem>>
          %dma_start3A_165 = arith.constant 0 : i32
          %dma_start3A_166 = tpu.memref_slice %arg9[%run_scoped3A_37, %dma_start3A_165] : memref<4x2000xi32, #tpu.memory_space<vmem>> -> memref<1x2000xi32, #tpu.memory_space<vmem>>
          %dma_start3A_167 = tpu.memref_squeeze %dma_start3A_166 : memref<1x2000xi32, #tpu.memory_space<vmem>> -> memref<2000xi32, #tpu.memory_space<vmem>>
          %dma_start3A_168 = tpu.memref_slice %arg5[%run_scoped3A_36, %add3A_35] : memref<2x3200000xi32, #tpu.memory_space<hbm>> -> memref<1x2000xi32, #tpu.memory_space<hbm>>
          %dma_start3A_169 = tpu.memref_squeeze %dma_start3A_168 : memref<1x2000xi32, #tpu.memory_space<hbm>> -> memref<2000xi32, #tpu.memory_space<hbm>>
          %dma_start3A_170 = arith.constant 0 : i32
          %dma_start3A_171 = tpu.memref_slice %arg9[%run_scoped3A_37, %dma_start3A_170] : memref<4x2000xi32, #tpu.memory_space<vmem>> -> memref<1x2000xi32, #tpu.memory_space<vmem>>
          %dma_start3A_172 = tpu.memref_squeeze %dma_start3A_171 : memref<1x2000xi32, #tpu.memory_space<vmem>> -> memref<2000xi32, #tpu.memory_space<vmem>>
          %dma_start3A_173 = tpu.memref_slice %arg5[%run_scoped3A_36, %add3A_35] : memref<2x3200000xi32, #tpu.memory_space<hbm>> -> memref<1x2000xi32, #tpu.memory_space<hbm>>
          %dma_start3A_174 = tpu.memref_squeeze %dma_start3A_173 : memref<1x2000xi32, #tpu.memory_space<hbm>> -> memref<2000xi32, #tpu.memory_space<hbm>>
          tpu.enqueue_dma source(%dma_start3A_174 : memref<2000xi32, #tpu.memory_space<hbm>>) target(%dma_start3A_172 : memref<2000xi32, #tpu.memory_space<vmem>>) target_semaphore(%run_scoped3A_164 : memref<!tpu.dma_semaphore, #tpu.memory_space<semaphore_mem>>)
          %dma_wait3A_175 = arith.constant 0 : i32
          %dma_wait3A_176 = tpu.memref_slice %arg9[%run_scoped3A_37, %dma_wait3A_175] : memref<4x2000xi32, #tpu.memory_space<vmem>> -> memref<1x2000xi32, #tpu.memory_space<vmem>>
          %dma_wait3A_177 = tpu.memref_squeeze %dma_wait3A_176 : memref<1x2000xi32, #tpu.memory_space<vmem>> -> memref<2000xi32, #tpu.memory_space<vmem>>
          %dma_wait3A_178 = tpu.memref_slice %arg5[%run_scoped3A_36, %add3A_35] : memref<2x3200000xi32, #tpu.memory_space<hbm>> -> memref<1x2000xi32, #tpu.memory_space<hbm>>
          %dma_wait3A_179 = tpu.memref_squeeze %dma_wait3A_178 : memref<1x2000xi32, #tpu.memory_space<hbm>> -> memref<2000xi32, #tpu.memory_space<hbm>>
          %dma_wait3A_180 = arith.constant 0 : i32
          %dma_wait3A_181 = tpu.memref_slice %arg9[%run_scoped3A_37, %dma_wait3A_180] : memref<4x2000xi32, #tpu.memory_space<vmem>> -> memref<1x2000xi32, #tpu.memory_space<vmem>>
          %dma_wait3A_182 = tpu.memref_squeeze %dma_wait3A_181 : memref<1x2000xi32, #tpu.memory_space<vmem>> -> memref<2000xi32, #tpu.memory_space<vmem>>
          %dma_wait3A_183 = tpu.memref_slice %arg5[%run_scoped3A_36, %add3A_35] : memref<2x3200000xi32, #tpu.memory_space<hbm>> -> memref<1x2000xi32, #tpu.memory_space<hbm>>
          %dma_wait3A_184 = tpu.memref_squeeze %dma_wait3A_183 : memref<1x2000xi32, #tpu.memory_space<hbm>> -> memref<2000xi32, #tpu.memory_space<hbm>>
          tpu.wait_dma2 semaphore(%run_scoped3A_164 : memref<!tpu.dma_semaphore, #tpu.memory_space<semaphore_mem>>) src(%dma_wait3A_184 : memref<2000xi32, #tpu.memory_space<hbm>>) dst(%dma_wait3A_182 : memref<2000xi32, #tpu.memory_space<vmem>>)
          tpu.yield
        }) : () -> ()
        %add3A_38 = arith.constant 2000 : i32
        %add3A_39 = arith.addi %mul3A_30, %add3A_38 : i32
        %run_scoped3A_40 = arith.constant 0 : i32
        %run_scoped3A_41 = arith.constant 1 : i32
        "tpu.region"() ({
          %run_scoped3A_164 = tpu.sem_alloc : memref<!tpu.dma_semaphore, #tpu.memory_space<semaphore_mem>>
          %dma_start3A_165 = arith.constant 0 : i32
          %dma_start3A_166 = tpu.memref_slice %arg8[%run_scoped3A_41, %dma_start3A_165] : memref<4x2000xi32, #tpu.memory_space<vmem>> -> memref<1x2000xi32, #tpu.memory_space<vmem>>
          %dma_start3A_167 = tpu.memref_squeeze %dma_start3A_166 : memref<1x2000xi32, #tpu.memory_space<vmem>> -> memref<2000xi32, #tpu.memory_space<vmem>>
          %dma_start3A_168 = tpu.memref_slice %arg5[%run_scoped3A_40, %add3A_39] : memref<2x3200000xi32, #tpu.memory_space<hbm>> -> memref<1x2000xi32, #tpu.memory_space<hbm>>
          %dma_start3A_169 = tpu.memref_squeeze %dma_start3A_168 : memref<1x2000xi32, #tpu.memory_space<hbm>> -> memref<2000xi32, #tpu.memory_space<hbm>>
          %dma_start3A_170 = arith.constant 0 : i32
          %dma_start3A_171 = tpu.memref_slice %arg8[%run_scoped3A_41, %dma_start3A_170] : memref<4x2000xi32, #tpu.memory_space<vmem>> -> memref<1x2000xi32, #tpu.memory_space<vmem>>
          %dma_start3A_172 = tpu.memref_squeeze %dma_start3A_171 : memref<1x2000xi32, #tpu.memory_space<vmem>> -> memref<2000xi32, #tpu.memory_space<vmem>>
          %dma_start3A_173 = tpu.memref_slice %arg5[%run_scoped3A_40, %add3A_39] : memref<2x3200000xi32, #tpu.memory_space<hbm>> -> memref<1x2000xi32, #tpu.memory_space<hbm>>
          %dma_start3A_174 = tpu.memref_squeeze %dma_start3A_173 : memref<1x2000xi32, #tpu.memory_space<hbm>> -> memref<2000xi32, #tpu.memory_space<hbm>>
          tpu.enqueue_dma source(%dma_start3A_174 : memref<2000xi32, #tpu.memory_space<hbm>>) target(%dma_start3A_172 : memref<2000xi32, #tpu.memory_space<vmem>>) target_semaphore(%run_scoped3A_164 : memref<!tpu.dma_semaphore, #tpu.memory_space<semaphore_mem>>)
          %dma_wait3A_175 = arith.constant 0 : i32
          %dma_wait3A_176 = tpu.memref_slice %arg8[%run_scoped3A_41, %dma_wait3A_175] : memref<4x2000xi32, #tpu.memory_space<vmem>> -> memref<1x2000xi32, #tpu.memory_space<vmem>>
          %dma_wait3A_177 = tpu.memref_squeeze %dma_wait3A_176 : memref<1x2000xi32, #tpu.memory_space<vmem>> -> memref<2000xi32, #tpu.memory_space<vmem>>
          %dma_wait3A_178 = tpu.memref_slice %arg5[%run_scoped3A_40, %add3A_39] : memref<2x3200000xi32, #tpu.memory_space<hbm>> -> memref<1x2000xi32, #tpu.memory_space<hbm>>
          %dma_wait3A_179 = tpu.memref_squeeze %dma_wait3A_178 : memref<1x2000xi32, #tpu.memory_space<hbm>> -> memref<2000xi32, #tpu.memory_space<hbm>>
          %dma_wait3A_180 = arith.constant 0 : i32
          %dma_wait3A_181 = tpu.memref_slice %arg8[%run_scoped3A_41, %dma_wait3A_180] : memref<4x2000xi32, #tpu.memory_space<vmem>> -> memref<1x2000xi32, #tpu.memory_space<vmem>>
          %dma_wait3A_182 = tpu.memref_squeeze %dma_wait3A_181 : memref<1x2000xi32, #tpu.memory_space<vmem>> -> memref<2000xi32, #tpu.memory_space<vmem>>
          %dma_wait3A_183 = tpu.memref_slice %arg5[%run_scoped3A_40, %add3A_39] : memref<2x3200000xi32, #tpu.memory_space<hbm>> -> memref<1x2000xi32, #tpu.memory_space<hbm>>
          %dma_wait3A_184 = tpu.memref_squeeze %dma_wait3A_183 : memref<1x2000xi32, #tpu.memory_space<hbm>> -> memref<2000xi32, #tpu.memory_space<hbm>>
          tpu.wait_dma2 semaphore(%run_scoped3A_164 : memref<!tpu.dma_semaphore, #tpu.memory_space<semaphore_mem>>) src(%dma_wait3A_184 : memref<2000xi32, #tpu.memory_space<hbm>>) dst(%dma_wait3A_182 : memref<2000xi32, #tpu.memory_space<vmem>>)
          tpu.yield
        }) : () -> ()
        %add3A_42 = arith.constant 2000 : i32
        %add3A_43 = arith.addi %mul3A_30, %add3A_42 : i32
        %run_scoped3A_44 = arith.constant 1 : i32
        %run_scoped3A_45 = arith.constant 1 : i32
        "tpu.region"() ({
          %run_scoped3A_164 = tpu.sem_alloc : memref<!tpu.dma_semaphore, #tpu.memory_space<semaphore_mem>>
          %dma_start3A_165 = arith.constant 0 : i32
          %dma_start3A_166 = tpu.memref_slice %arg9[%run_scoped3A_45, %dma_start3A_165] : memref<4x2000xi32, #tpu.memory_space<vmem>> -> memref<1x2000xi32, #tpu.memory_space<vmem>>
          %dma_start3A_167 = tpu.memref_squeeze %dma_start3A_166 : memref<1x2000xi32, #tpu.memory_space<vmem>> -> memref<2000xi32, #tpu.memory_space<vmem>>
          %dma_start3A_168 = tpu.memref_slice %arg5[%run_scoped3A_44, %add3A_43] : memref<2x3200000xi32, #tpu.memory_space<hbm>> -> memref<1x2000xi32, #tpu.memory_space<hbm>>
          %dma_start3A_169 = tpu.memref_squeeze %dma_start3A_168 : memref<1x2000xi32, #tpu.memory_space<hbm>> -> memref<2000xi32, #tpu.memory_space<hbm>>
          %dma_start3A_170 = arith.constant 0 : i32
          %dma_start3A_171 = tpu.memref_slice %arg9[%run_scoped3A_45, %dma_start3A_170] : memref<4x2000xi32, #tpu.memory_space<vmem>> -> memref<1x2000xi32, #tpu.memory_space<vmem>>
          %dma_start3A_172 = tpu.memref_squeeze %dma_start3A_171 : memref<1x2000xi32, #tpu.memory_space<vmem>> -> memref<2000xi32, #tpu.memory_space<vmem>>
          %dma_start3A_173 = tpu.memref_slice %arg5[%run_scoped3A_44, %add3A_43] : memref<2x3200000xi32, #tpu.memory_space<hbm>> -> memref<1x2000xi32, #tpu.memory_space<hbm>>
          %dma_start3A_174 = tpu.memref_squeeze %dma_start3A_173 : memref<1x2000xi32, #tpu.memory_space<hbm>> -> memref<2000xi32, #tpu.memory_space<hbm>>
          tpu.enqueue_dma source(%dma_start3A_174 : memref<2000xi32, #tpu.memory_space<hbm>>) target(%dma_start3A_172 : memref<2000xi32, #tpu.memory_space<vmem>>) target_semaphore(%run_scoped3A_164 : memref<!tpu.dma_semaphore, #tpu.memory_space<semaphore_mem>>)
          %dma_wait3A_175 = arith.constant 0 : i32
          %dma_wait3A_176 = tpu.memref_slice %arg9[%run_scoped3A_45, %dma_wait3A_175] : memref<4x2000xi32, #tpu.memory_space<vmem>> -> memref<1x2000xi32, #tpu.memory_space<vmem>>
          %dma_wait3A_177 = tpu.memref_squeeze %dma_wait3A_176 : memref<1x2000xi32, #tpu.memory_space<vmem>> -> memref<2000xi32, #tpu.memory_space<vmem>>
          %dma_wait3A_178 = tpu.memref_slice %arg5[%run_scoped3A_44, %add3A_43] : memref<2x3200000xi32, #tpu.memory_space<hbm>> -> memref<1x2000xi32, #tpu.memory_space<hbm>>
          %dma_wait3A_179 = tpu.memref_squeeze %dma_wait3A_178 : memref<1x2000xi32, #tpu.memory_space<hbm>> -> memref<2000xi32, #tpu.memory_space<hbm>>
          %dma_wait3A_180 = arith.constant 0 : i32
          %dma_wait3A_181 = tpu.memref_slice %arg9[%run_scoped3A_45, %dma_wait3A_180] : memref<4x2000xi32, #tpu.memory_space<vmem>> -> memref<1x2000xi32, #tpu.memory_space<vmem>>
          %dma_wait3A_182 = tpu.memref_squeeze %dma_wait3A_181 : memref<1x2000xi32, #tpu.memory_space<vmem>> -> memref<2000xi32, #tpu.memory_space<vmem>>
          %dma_wait3A_183 = tpu.memref_slice %arg5[%run_scoped3A_44, %add3A_43] : memref<2x3200000xi32, #tpu.memory_space<hbm>> -> memref<1x2000xi32, #tpu.memory_space<hbm>>
          %dma_wait3A_184 = tpu.memref_squeeze %dma_wait3A_183 : memref<1x2000xi32, #tpu.memory_space<hbm>> -> memref<2000xi32, #tpu.memory_space<hbm>>
          tpu.wait_dma2 semaphore(%run_scoped3A_164 : memref<!tpu.dma_semaphore, #tpu.memory_space<semaphore_mem>>) src(%dma_wait3A_184 : memref<2000xi32, #tpu.memory_space<hbm>>) dst(%dma_wait3A_182 : memref<2000xi32, #tpu.memory_space<vmem>>)
          tpu.yield
        }) : () -> ()
        %add3A_46 = arith.constant 4000 : i32
        %add3A_47 = arith.addi %mul3A_30, %add3A_46 : i32
        %run_scoped3A_48 = arith.constant 0 : i32
        %run_scoped3A_49 = arith.constant 2 : i32
        "tpu.region"() ({
          %run_scoped3A_164 = tpu.sem_alloc : memref<!tpu.dma_semaphore, #tpu.memory_space<semaphore_mem>>
          %dma_start3A_165 = arith.constant 0 : i32
          %dma_start3A_166 = tpu.memref_slice %arg8[%run_scoped3A_49, %dma_start3A_165] : memref<4x2000xi32, #tpu.memory_space<vmem>> -> memref<1x2000xi32, #tpu.memory_space<vmem>>
          %dma_start3A_167 = tpu.memref_squeeze %dma_start3A_166 : memref<1x2000xi32, #tpu.memory_space<vmem>> -> memref<2000xi32, #tpu.memory_space<vmem>>
          %dma_start3A_168 = tpu.memref_slice %arg5[%run_scoped3A_48, %add3A_47] : memref<2x3200000xi32, #tpu.memory_space<hbm>> -> memref<1x2000xi32, #tpu.memory_space<hbm>>
          %dma_start3A_169 = tpu.memref_squeeze %dma_start3A_168 : memref<1x2000xi32, #tpu.memory_space<hbm>> -> memref<2000xi32, #tpu.memory_space<hbm>>
          %dma_start3A_170 = arith.constant 0 : i32
          %dma_start3A_171 = tpu.memref_slice %arg8[%run_scoped3A_49, %dma_start3A_170] : memref<4x2000xi32, #tpu.memory_space<vmem>> -> memref<1x2000xi32, #tpu.memory_space<vmem>>
          %dma_start3A_172 = tpu.memref_squeeze %dma_start3A_171 : memref<1x2000xi32, #tpu.memory_space<vmem>> -> memref<2000xi32, #tpu.memory_space<vmem>>
          %dma_start3A_173 = tpu.memref_slice %arg5[%run_scoped3A_48, %add3A_47] : memref<2x3200000xi32, #tpu.memory_space<hbm>> -> memref<1x2000xi32, #tpu.memory_space<hbm>>
          %dma_start3A_174 = tpu.memref_squeeze %dma_start3A_173 : memref<1x2000xi32, #tpu.memory_space<hbm>> -> memref<2000xi32, #tpu.memory_space<hbm>>
          tpu.enqueue_dma source(%dma_start3A_174 : memref<2000xi32, #tpu.memory_space<hbm>>) target(%dma_start3A_172 : memref<2000xi32, #tpu.memory_space<vmem>>) target_semaphore(%run_scoped3A_164 : memref<!tpu.dma_semaphore, #tpu.memory_space<semaphore_mem>>)
          %dma_wait3A_175 = arith.constant 0 : i32
          %dma_wait3A_176 = tpu.memref_slice %arg8[%run_scoped3A_49, %dma_wait3A_175] : memref<4x2000xi32, #tpu.memory_space<vmem>> -> memref<1x2000xi32, #tpu.memory_space<vmem>>
          %dma_wait3A_177 = tpu.memref_squeeze %dma_wait3A_176 : memref<1x2000xi32, #tpu.memory_space<vmem>> -> memref<2000xi32, #tpu.memory_space<vmem>>
          %dma_wait3A_178 = tpu.memref_slice %arg5[%run_scoped3A_48, %add3A_47] : memref<2x3200000xi32, #tpu.memory_space<hbm>> -> memref<1x2000xi32, #tpu.memory_space<hbm>>
          %dma_wait3A_179 = tpu.memref_squeeze %dma_wait3A_178 : memref<1x2000xi32, #tpu.memory_space<hbm>> -> memref<2000xi32, #tpu.memory_space<hbm>>
          %dma_wait3A_180 = arith.constant 0 : i32
          %dma_wait3A_181 = tpu.memref_slice %arg8[%run_scoped3A_49, %dma_wait3A_180] : memref<4x2000xi32, #tpu.memory_space<vmem>> -> memref<1x2000xi32, #tpu.memory_space<vmem>>
          %dma_wait3A_182 = tpu.memref_squeeze %dma_wait3A_181 : memref<1x2000xi32, #tpu.memory_space<vmem>> -> memref<2000xi32, #tpu.memory_space<vmem>>
          %dma_wait3A_183 = tpu.memref_slice %arg5[%run_scoped3A_48, %add3A_47] : memref<2x3200000xi32, #tpu.memory_space<hbm>> -> memref<1x2000xi32, #tpu.memory_space<hbm>>
          %dma_wait3A_184 = tpu.memref_squeeze %dma_wait3A_183 : memref<1x2000xi32, #tpu.memory_space<hbm>> -> memref<2000xi32, #tpu.memory_space<hbm>>
          tpu.wait_dma2 semaphore(%run_scoped3A_164 : memref<!tpu.dma_semaphore, #tpu.memory_space<semaphore_mem>>) src(%dma_wait3A_184 : memref<2000xi32, #tpu.memory_space<hbm>>) dst(%dma_wait3A_182 : memref<2000xi32, #tpu.memory_space<vmem>>)
          tpu.yield
        }) : () -> ()
        %add3A_50 = arith.constant 4000 : i32
        %add3A_51 = arith.addi %mul3A_30, %add3A_50 : i32
        %run_scoped3A_52 = arith.constant 1 : i32
        %run_scoped3A_53 = arith.constant 2 : i32
        "tpu.region"() ({
          %run_scoped3A_164 = tpu.sem_alloc : memref<!tpu.dma_semaphore, #tpu.memory_space<semaphore_mem>>
          %dma_start3A_165 = arith.constant 0 : i32
          %dma_start3A_166 = tpu.memref_slice %arg9[%run_scoped3A_53, %dma_start3A_165] : memref<4x2000xi32, #tpu.memory_space<vmem>> -> memref<1x2000xi32, #tpu.memory_space<vmem>>
          %dma_start3A_167 = tpu.memref_squeeze %dma_start3A_166 : memref<1x2000xi32, #tpu.memory_space<vmem>> -> memref<2000xi32, #tpu.memory_space<vmem>>
          %dma_start3A_168 = tpu.memref_slice %arg5[%run_scoped3A_52, %add3A_51] : memref<2x3200000xi32, #tpu.memory_space<hbm>> -> memref<1x2000xi32, #tpu.memory_space<hbm>>
          %dma_start3A_169 = tpu.memref_squeeze %dma_start3A_168 : memref<1x2000xi32, #tpu.memory_space<hbm>> -> memref<2000xi32, #tpu.memory_space<hbm>>
          %dma_start3A_170 = arith.constant 0 : i32
          %dma_start3A_171 = tpu.memref_slice %arg9[%run_scoped3A_53, %dma_start3A_170] : memref<4x2000xi32, #tpu.memory_space<vmem>> -> memref<1x2000xi32, #tpu.memory_space<vmem>>
          %dma_start3A_172 = tpu.memref_squeeze %dma_start3A_171 : memref<1x2000xi32, #tpu.memory_space<vmem>> -> memref<2000xi32, #tpu.memory_space<vmem>>
          %dma_start3A_173 = tpu.memref_slice %arg5[%run_scoped3A_52, %add3A_51] : memref<2x3200000xi32, #tpu.memory_space<hbm>> -> memref<1x2000xi32, #tpu.memory_space<hbm>>
          %dma_start3A_174 = tpu.memref_squeeze %dma_start3A_173 : memref<1x2000xi32, #tpu.memory_space<hbm>> -> memref<2000xi32, #tpu.memory_space<hbm>>
          tpu.enqueue_dma source(%dma_start3A_174 : memref<2000xi32, #tpu.memory_space<hbm>>) target(%dma_start3A_172 : memref<2000xi32, #tpu.memory_space<vmem>>) target_semaphore(%run_scoped3A_164 : memref<!tpu.dma_semaphore, #tpu.memory_space<semaphore_mem>>)
          %dma_wait3A_175 = arith.constant 0 : i32
          %dma_wait3A_176 = tpu.memref_slice %arg9[%run_scoped3A_53, %dma_wait3A_175] : memref<4x2000xi32, #tpu.memory_space<vmem>> -> memref<1x2000xi32, #tpu.memory_space<vmem>>
          %dma_wait3A_177 = tpu.memref_squeeze %dma_wait3A_176 : memref<1x2000xi32, #tpu.memory_space<vmem>> -> memref<2000xi32, #tpu.memory_space<vmem>>
          %dma_wait3A_178 = tpu.memref_slice %arg5[%run_scoped3A_52, %add3A_51] : memref<2x3200000xi32, #tpu.memory_space<hbm>> -> memref<1x2000xi32, #tpu.memory_space<hbm>>
          %dma_wait3A_179 = tpu.memref_squeeze %dma_wait3A_178 : memref<1x2000xi32, #tpu.memory_space<hbm>> -> memref<2000xi32, #tpu.memory_space<hbm>>
          %dma_wait3A_180 = arith.constant 0 : i32
          %dma_wait3A_181 = tpu.memref_slice %arg9[%run_scoped3A_53, %dma_wait3A_180] : memref<4x2000xi32, #tpu.memory_space<vmem>> -> memref<1x2000xi32, #tpu.memory_space<vmem>>
          %dma_wait3A_182 = tpu.memref_squeeze %dma_wait3A_181 : memref<1x2000xi32, #tpu.memory_space<vmem>> -> memref<2000xi32, #tpu.memory_space<vmem>>
          %dma_wait3A_183 = tpu.memref_slice %arg5[%run_scoped3A_52, %add3A_51] : memref<2x3200000xi32, #tpu.memory_space<hbm>> -> memref<1x2000xi32, #tpu.memory_space<hbm>>
          %dma_wait3A_184 = tpu.memref_squeeze %dma_wait3A_183 : memref<1x2000xi32, #tpu.memory_space<hbm>> -> memref<2000xi32, #tpu.memory_space<hbm>>
          tpu.wait_dma2 semaphore(%run_scoped3A_164 : memref<!tpu.dma_semaphore, #tpu.memory_space<semaphore_mem>>) src(%dma_wait3A_184 : memref<2000xi32, #tpu.memory_space<hbm>>) dst(%dma_wait3A_182 : memref<2000xi32, #tpu.memory_space<vmem>>)
          tpu.yield
        }) : () -> ()
        %add3A_54 = arith.constant 6000 : i32
        %add3A_55 = arith.addi %mul3A_30, %add3A_54 : i32
        %run_scoped3A_56 = arith.constant 0 : i32
        %run_scoped3A_57 = arith.constant 3 : i32
        "tpu.region"() ({
          %run_scoped3A_164 = tpu.sem_alloc : memref<!tpu.dma_semaphore, #tpu.memory_space<semaphore_mem>>
          %dma_start3A_165 = arith.constant 0 : i32
          %dma_start3A_166 = tpu.memref_slice %arg8[%run_scoped3A_57, %dma_start3A_165] : memref<4x2000xi32, #tpu.memory_space<vmem>> -> memref<1x2000xi32, #tpu.memory_space<vmem>>
          %dma_start3A_167 = tpu.memref_squeeze %dma_start3A_166 : memref<1x2000xi32, #tpu.memory_space<vmem>> -> memref<2000xi32, #tpu.memory_space<vmem>>
          %dma_start3A_168 = tpu.memref_slice %arg5[%run_scoped3A_56, %add3A_55] : memref<2x3200000xi32, #tpu.memory_space<hbm>> -> memref<1x2000xi32, #tpu.memory_space<hbm>>
          %dma_start3A_169 = tpu.memref_squeeze %dma_start3A_168 : memref<1x2000xi32, #tpu.memory_space<hbm>> -> memref<2000xi32, #tpu.memory_space<hbm>>
          %dma_start3A_170 = arith.constant 0 : i32
          %dma_start3A_171 = tpu.memref_slice %arg8[%run_scoped3A_57, %dma_start3A_170] : memref<4x2000xi32, #tpu.memory_space<vmem>> -> memref<1x2000xi32, #tpu.memory_space<vmem>>
          %dma_start3A_172 = tpu.memref_squeeze %dma_start3A_171 : memref<1x2000xi32, #tpu.memory_space<vmem>> -> memref<2000xi32, #tpu.memory_space<vmem>>
          %dma_start3A_173 = tpu.memref_slice %arg5[%run_scoped3A_56, %add3A_55] : memref<2x3200000xi32, #tpu.memory_space<hbm>> -> memref<1x2000xi32, #tpu.memory_space<hbm>>
          %dma_start3A_174 = tpu.memref_squeeze %dma_start3A_173 : memref<1x2000xi32, #tpu.memory_space<hbm>> -> memref<2000xi32, #tpu.memory_space<hbm>>
          tpu.enqueue_dma source(%dma_start3A_174 : memref<2000xi32, #tpu.memory_space<hbm>>) target(%dma_start3A_172 : memref<2000xi32, #tpu.memory_space<vmem>>) target_semaphore(%run_scoped3A_164 : memref<!tpu.dma_semaphore, #tpu.memory_space<semaphore_mem>>)
          %dma_wait3A_175 = arith.constant 0 : i32
          %dma_wait3A_176 = tpu.memref_slice %arg8[%run_scoped3A_57, %dma_wait3A_175] : memref<4x2000xi32, #tpu.memory_space<vmem>> -> memref<1x2000xi32, #tpu.memory_space<vmem>>
          %dma_wait3A_177 = tpu.memref_squeeze %dma_wait3A_176 : memref<1x2000xi32, #tpu.memory_space<vmem>> -> memref<2000xi32, #tpu.memory_space<vmem>>
          %dma_wait3A_178 = tpu.memref_slice %arg5[%run_scoped3A_56, %add3A_55] : memref<2x3200000xi32, #tpu.memory_space<hbm>> -> memref<1x2000xi32, #tpu.memory_space<hbm>>
          %dma_wait3A_179 = tpu.memref_squeeze %dma_wait3A_178 : memref<1x2000xi32, #tpu.memory_space<hbm>> -> memref<2000xi32, #tpu.memory_space<hbm>>
          %dma_wait3A_180 = arith.constant 0 : i32
          %dma_wait3A_181 = tpu.memref_slice %arg8[%run_scoped3A_57, %dma_wait3A_180] : memref<4x2000xi32, #tpu.memory_space<vmem>> -> memref<1x2000xi32, #tpu.memory_space<vmem>>
          %dma_wait3A_182 = tpu.memref_squeeze %dma_wait3A_181 : memref<1x2000xi32, #tpu.memory_space<vmem>> -> memref<2000xi32, #tpu.memory_space<vmem>>
          %dma_wait3A_183 = tpu.memref_slice %arg5[%run_scoped3A_56, %add3A_55] : memref<2x3200000xi32, #tpu.memory_space<hbm>> -> memref<1x2000xi32, #tpu.memory_space<hbm>>
          %dma_wait3A_184 = tpu.memref_squeeze %dma_wait3A_183 : memref<1x2000xi32, #tpu.memory_space<hbm>> -> memref<2000xi32, #tpu.memory_space<hbm>>
          tpu.wait_dma2 semaphore(%run_scoped3A_164 : memref<!tpu.dma_semaphore, #tpu.memory_space<semaphore_mem>>) src(%dma_wait3A_184 : memref<2000xi32, #tpu.memory_space<hbm>>) dst(%dma_wait3A_182 : memref<2000xi32, #tpu.memory_space<vmem>>)
          tpu.yield
        }) : () -> ()
        %add3A_58 = arith.constant 6000 : i32
        %add3A_59 = arith.addi %mul3A_30, %add3A_58 : i32
        %run_scoped3A_60 = arith.constant 1 : i32
        %run_scoped3A_61 = arith.constant 3 : i32
        "tpu.region"() ({
          %run_scoped3A_164 = tpu.sem_alloc : memref<!tpu.dma_semaphore, #tpu.memory_space<semaphore_mem>>
          %dma_start3A_165 = arith.constant 0 : i32
          %dma_start3A_166 = tpu.memref_slice %arg9[%run_scoped3A_61, %dma_start3A_165] : memref<4x2000xi32, #tpu.memory_space<vmem>> -> memref<1x2000xi32, #tpu.memory_space<vmem>>
          %dma_start3A_167 = tpu.memref_squeeze %dma_start3A_166 : memref<1x2000xi32, #tpu.memory_space<vmem>> -> memref<2000xi32, #tpu.memory_space<vmem>>
          %dma_start3A_168 = tpu.memref_slice %arg5[%run_scoped3A_60, %add3A_59] : memref<2x3200000xi32, #tpu.memory_space<hbm>> -> memref<1x2000xi32, #tpu.memory_space<hbm>>
          %dma_start3A_169 = tpu.memref_squeeze %dma_start3A_168 : memref<1x2000xi32, #tpu.memory_space<hbm>> -> memref<2000xi32, #tpu.memory_space<hbm>>
          %dma_start3A_170 = arith.constant 0 : i32
          %dma_start3A_171 = tpu.memref_slice %arg9[%run_scoped3A_61, %dma_start3A_170] : memref<4x2000xi32, #tpu.memory_space<vmem>> -> memref<1x2000xi32, #tpu.memory_space<vmem>>
          %dma_start3A_172 = tpu.memref_squeeze %dma_start3A_171 : memref<1x2000xi32, #tpu.memory_space<vmem>> -> memref<2000xi32, #tpu.memory_space<vmem>>
          %dma_start3A_173 = tpu.memref_slice %arg5[%run_scoped3A_60, %add3A_59] : memref<2x3200000xi32, #tpu.memory_space<hbm>> -> memref<1x2000xi32, #tpu.memory_space<hbm>>
          %dma_start3A_174 = tpu.memref_squeeze %dma_start3A_173 : memref<1x2000xi32, #tpu.memory_space<hbm>> -> memref<2000xi32, #tpu.memory_space<hbm>>
          tpu.enqueue_dma source(%dma_start3A_174 : memref<2000xi32, #tpu.memory_space<hbm>>) target(%dma_start3A_172 : memref<2000xi32, #tpu.memory_space<vmem>>) target_semaphore(%run_scoped3A_164 : memref<!tpu.dma_semaphore, #tpu.memory_space<semaphore_mem>>)
          %dma_wait3A_175 = arith.constant 0 : i32
          %dma_wait3A_176 = tpu.memref_slice %arg9[%run_scoped3A_61, %dma_wait3A_175] : memref<4x2000xi32, #tpu.memory_space<vmem>> -> memref<1x2000xi32, #tpu.memory_space<vmem>>
          %dma_wait3A_177 = tpu.memref_squeeze %dma_wait3A_176 : memref<1x2000xi32, #tpu.memory_space<vmem>> -> memref<2000xi32, #tpu.memory_space<vmem>>
          %dma_wait3A_178 = tpu.memref_slice %arg5[%run_scoped3A_60, %add3A_59] : memref<2x3200000xi32, #tpu.memory_space<hbm>> -> memref<1x2000xi32, #tpu.memory_space<hbm>>
          %dma_wait3A_179 = tpu.memref_squeeze %dma_wait3A_178 : memref<1x2000xi32, #tpu.memory_space<hbm>> -> memref<2000xi32, #tpu.memory_space<hbm>>
          %dma_wait3A_180 = arith.constant 0 : i32
          %dma_wait3A_181 = tpu.memref_slice %arg9[%run_scoped3A_61, %dma_wait3A_180] : memref<4x2000xi32, #tpu.memory_space<vmem>> -> memref<1x2000xi32, #tpu.memory_space<vmem>>
          %dma_wait3A_182 = tpu.memref_squeeze %dma_wait3A_181 : memref<1x2000xi32, #tpu.memory_space<vmem>> -> memref<2000xi32, #tpu.memory_space<vmem>>
          %dma_wait3A_183 = tpu.memref_slice %arg5[%run_scoped3A_60, %add3A_59] : memref<2x3200000xi32, #tpu.memory_space<hbm>> -> memref<1x2000xi32, #tpu.memory_space<hbm>>
          %dma_wait3A_184 = tpu.memref_squeeze %dma_wait3A_183 : memref<1x2000xi32, #tpu.memory_space<hbm>> -> memref<2000xi32, #tpu.memory_space<hbm>>
          tpu.wait_dma2 semaphore(%run_scoped3A_164 : memref<!tpu.dma_semaphore, #tpu.memory_space<semaphore_mem>>) src(%dma_wait3A_184 : memref<2000xi32, #tpu.memory_space<hbm>>) dst(%dma_wait3A_182 : memref<2000xi32, #tpu.memory_space<vmem>>)
          tpu.yield
        }) : () -> ()
        %dma_start3A = arith.constant 0 : i32
        %dma_start3A_62 = arith.constant 0 : i32
        %dma_start3A_63 = arith.constant 0 : i32
        %dma_start3A_64 = arith.constant 0 : i32
        %dma_start3A_65 = tpu.memref_slice %arg10[%dma_start3A_62, %dma_start3A_63, %dma_start3A_64] : memref<4x2000x8xf32, #tpu.memory_space<vmem>> -> memref<1x2000x8xf32, #tpu.memory_space<vmem>>
        %dma_start3A_66 = tpu.memref_squeeze %dma_start3A_65 : memref<1x2000x8xf32, #tpu.memory_space<vmem>> -> memref<2000x8xf32, #tpu.memory_space<vmem>>
        %dma_start3A_67 = arith.constant 0 : i32
        %dma_start3A_68 = tpu.memref_slice %arg8[%dma_start3A, %dma_start3A_67] : memref<4x2000xi32, #tpu.memory_space<vmem>> -> memref<1x2000xi32, #tpu.memory_space<vmem>>
        %dma_start3A_69 = tpu.memref_squeeze %dma_start3A_68 : memref<1x2000xi32, #tpu.memory_space<vmem>> -> memref<2000xi32, #tpu.memory_space<vmem>>
        %dma_start3A_70 = arith.constant 0 : i32
        %dma_start3A_71 = arith.constant 0 : i32
        %dma_start3A_72 = tpu.memref_slice %arg3[%dma_start3A_70, %dma_start3A_71] : memref<100000x8xf32, #tpu.memory_space<hbm>> -> memref<100000x8xf32, #tpu.memory_space<hbm>>
        tpu.enqueue_indirect_dma source(%dma_start3A_72 : memref<100000x8xf32, #tpu.memory_space<hbm>>) target(%dma_start3A_66 : memref<2000x8xf32, #tpu.memory_space<vmem>>) offsets(%dma_start3A_69 : memref<2000xi32, #tpu.memory_space<vmem>>) semaphore(%arg12 : memref<!tpu.dma_semaphore, #tpu.memory_space<semaphore_mem>>)
        %dma_start3A_73 = arith.constant 1 : i32
        %dma_start3A_74 = arith.constant 1 : i32
        %dma_start3A_75 = arith.constant 0 : i32
        %dma_start3A_76 = arith.constant 0 : i32
        %dma_start3A_77 = tpu.memref_slice %arg10[%dma_start3A_74, %dma_start3A_75, %dma_start3A_76] : memref<4x2000x8xf32, #tpu.memory_space<vmem>> -> memref<1x2000x8xf32, #tpu.memory_space<vmem>>
        %dma_start3A_78 = tpu.memref_squeeze %dma_start3A_77 : memref<1x2000x8xf32, #tpu.memory_space<vmem>> -> memref<2000x8xf32, #tpu.memory_space<vmem>>
        %dma_start3A_79 = arith.constant 0 : i32
        %dma_start3A_80 = tpu.memref_slice %arg8[%dma_start3A_73, %dma_start3A_79] : memref<4x2000xi32, #tpu.memory_space<vmem>> -> memref<1x2000xi32, #tpu.memory_space<vmem>>
        %dma_start3A_81 = tpu.memref_squeeze %dma_start3A_80 : memref<1x2000xi32, #tpu.memory_space<vmem>> -> memref<2000xi32, #tpu.memory_space<vmem>>
        %dma_start3A_82 = arith.constant 0 : i32
        %dma_start3A_83 = arith.constant 0 : i32
        %dma_start3A_84 = tpu.memref_slice %arg3[%dma_start3A_82, %dma_start3A_83] : memref<100000x8xf32, #tpu.memory_space<hbm>> -> memref<100000x8xf32, #tpu.memory_space<hbm>>
        tpu.enqueue_indirect_dma source(%dma_start3A_84 : memref<100000x8xf32, #tpu.memory_space<hbm>>) target(%dma_start3A_78 : memref<2000x8xf32, #tpu.memory_space<vmem>>) offsets(%dma_start3A_81 : memref<2000xi32, #tpu.memory_space<vmem>>) semaphore(%arg13 : memref<!tpu.dma_semaphore, #tpu.memory_space<semaphore_mem>>)
        %dma_start3A_85 = arith.constant 2 : i32
        %dma_start3A_86 = arith.constant 2 : i32
        %dma_start3A_87 = arith.constant 0 : i32
        %dma_start3A_88 = arith.constant 0 : i32
        %dma_start3A_89 = tpu.memref_slice %arg10[%dma_start3A_86, %dma_start3A_87, %dma_start3A_88] : memref<4x2000x8xf32, #tpu.memory_space<vmem>> -> memref<1x2000x8xf32, #tpu.memory_space<vmem>>
        %dma_start3A_90 = tpu.memref_squeeze %dma_start3A_89 : memref<1x2000x8xf32, #tpu.memory_space<vmem>> -> memref<2000x8xf32, #tpu.memory_space<vmem>>
        %dma_start3A_91 = arith.constant 0 : i32
        %dma_start3A_92 = tpu.memref_slice %arg8[%dma_start3A_85, %dma_start3A_91] : memref<4x2000xi32, #tpu.memory_space<vmem>> -> memref<1x2000xi32, #tpu.memory_space<vmem>>
        %dma_start3A_93 = tpu.memref_squeeze %dma_start3A_92 : memref<1x2000xi32, #tpu.memory_space<vmem>> -> memref<2000xi32, #tpu.memory_space<vmem>>
        %dma_start3A_94 = arith.constant 0 : i32
        %dma_start3A_95 = arith.constant 0 : i32
        %dma_start3A_96 = tpu.memref_slice %arg3[%dma_start3A_94, %dma_start3A_95] : memref<100000x8xf32, #tpu.memory_space<hbm>> -> memref<100000x8xf32, #tpu.memory_space<hbm>>
        tpu.enqueue_indirect_dma source(%dma_start3A_96 : memref<100000x8xf32, #tpu.memory_space<hbm>>) target(%dma_start3A_90 : memref<2000x8xf32, #tpu.memory_space<vmem>>) offsets(%dma_start3A_93 : memref<2000xi32, #tpu.memory_space<vmem>>) semaphore(%arg14 : memref<!tpu.dma_semaphore, #tpu.memory_space<semaphore_mem>>)
        %dma_start3A_97 = arith.constant 3 : i32
        %dma_start3A_98 = arith.constant 3 : i32
        %dma_start3A_99 = arith.constant 0 : i32
        %dma_start3A_100 = arith.constant 0 : i32
        %dma_start3A_101 = tpu.memref_slice %arg10[%dma_start3A_98, %dma_start3A_99, %dma_start3A_100] : memref<4x2000x8xf32, #tpu.memory_space<vmem>> -> memref<1x2000x8xf32, #tpu.memory_space<vmem>>
        %dma_start3A_102 = tpu.memref_squeeze %dma_start3A_101 : memref<1x2000x8xf32, #tpu.memory_space<vmem>> -> memref<2000x8xf32, #tpu.memory_space<vmem>>
        %dma_start3A_103 = arith.constant 0 : i32
        %dma_start3A_104 = tpu.memref_slice %arg8[%dma_start3A_97, %dma_start3A_103] : memref<4x2000xi32, #tpu.memory_space<vmem>> -> memref<1x2000xi32, #tpu.memory_space<vmem>>
        %dma_start3A_105 = tpu.memref_squeeze %dma_start3A_104 : memref<1x2000xi32, #tpu.memory_space<vmem>> -> memref<2000xi32, #tpu.memory_space<vmem>>
        %dma_start3A_106 = arith.constant 0 : i32
        %dma_start3A_107 = arith.constant 0 : i32
        %dma_start3A_108 = tpu.memref_slice %arg3[%dma_start3A_106, %dma_start3A_107] : memref<100000x8xf32, #tpu.memory_space<hbm>> -> memref<100000x8xf32, #tpu.memory_space<hbm>>
        tpu.enqueue_indirect_dma source(%dma_start3A_108 : memref<100000x8xf32, #tpu.memory_space<hbm>>) target(%dma_start3A_102 : memref<2000x8xf32, #tpu.memory_space<vmem>>) offsets(%dma_start3A_105 : memref<2000xi32, #tpu.memory_space<vmem>>) semaphore(%arg15 : memref<!tpu.dma_semaphore, #tpu.memory_space<semaphore_mem>>)
        %dma_wait3A = arith.constant 0 : i32
        %dma_wait3A_109 = arith.constant 0 : i32
        %dma_wait3A_110 = arith.constant 0 : i32
        %dma_wait3A_111 = arith.constant 0 : i32
        %dma_wait3A_112 = tpu.memref_slice %arg10[%dma_wait3A_109, %dma_wait3A_110, %dma_wait3A_111] : memref<4x2000x8xf32, #tpu.memory_space<vmem>> -> memref<1x2000x8xf32, #tpu.memory_space<vmem>>
        %dma_wait3A_113 = tpu.memref_squeeze %dma_wait3A_112 : memref<1x2000x8xf32, #tpu.memory_space<vmem>> -> memref<2000x8xf32, #tpu.memory_space<vmem>>
        %dma_wait3A_114 = arith.constant 0 : i32
        %dma_wait3A_115 = tpu.memref_slice %arg8[%dma_wait3A, %dma_wait3A_114] : memref<4x2000xi32, #tpu.memory_space<vmem>> -> memref<1x2000xi32, #tpu.memory_space<vmem>>
        %dma_wait3A_116 = tpu.memref_squeeze %dma_wait3A_115 : memref<1x2000xi32, #tpu.memory_space<vmem>> -> memref<2000xi32, #tpu.memory_space<vmem>>
        %dma_wait3A_117 = arith.constant 0 : i32
        %dma_wait3A_118 = arith.constant 0 : i32
        %dma_wait3A_119 = tpu.memref_slice %arg3[%dma_wait3A_117, %dma_wait3A_118] : memref<100000x8xf32, #tpu.memory_space<hbm>> -> memref<100000x8xf32, #tpu.memory_space<hbm>>
        tpu.wait_indirect_dma semaphore(%arg12 : memref<!tpu.dma_semaphore, #tpu.memory_space<semaphore_mem>>) src(%dma_wait3A_119 : memref<100000x8xf32, #tpu.memory_space<hbm>>) dst(%dma_wait3A_113 : memref<2000x8xf32, #tpu.memory_space<vmem>>)
        %run_scoped3A_120 = arith.constant 0 : i32
        %run_scoped3A_121 = arith.constant 0 : i32
        "tpu.region"() ({
          %run_scoped3A_164 = tpu.sem_alloc : memref<!tpu.dma_semaphore, #tpu.memory_space<semaphore_mem>>
          %dma_start3A_165 = arith.constant 0 : i32
          %dma_start3A_166 = arith.constant 0 : i32
          %dma_start3A_167 = tpu.memref_slice %arg10[%run_scoped3A_120, %dma_start3A_165, %dma_start3A_166] : memref<4x2000x8xf32, #tpu.memory_space<vmem>> -> memref<1x2000x8xf32, #tpu.memory_space<vmem>>
          %dma_start3A_168 = tpu.memref_squeeze %dma_start3A_167 : memref<1x2000x8xf32, #tpu.memory_space<vmem>> -> memref<2000x8xf32, #tpu.memory_space<vmem>>
          %dma_start3A_169 = arith.constant 0 : i32
          %dma_start3A_170 = tpu.memref_slice %arg9[%run_scoped3A_121, %dma_start3A_169] : memref<4x2000xi32, #tpu.memory_space<vmem>> -> memref<1x2000xi32, #tpu.memory_space<vmem>>
          %dma_start3A_171 = tpu.memref_squeeze %dma_start3A_170 : memref<1x2000xi32, #tpu.memory_space<vmem>> -> memref<2000xi32, #tpu.memory_space<vmem>>
          %dma_start3A_172 = arith.constant 0 : i32
          %dma_start3A_173 = arith.constant 0 : i32
          %dma_start3A_174 = tpu.memref_slice %arg11[%dma_start3A_172, %dma_start3A_173] : memref<100096x8xf32, #tpu.memory_space<vmem_shared>> -> memref<100096x8xf32, #tpu.memory_space<vmem_shared>>
          tpu.enqueue_indirect_dma source(%dma_start3A_168 : memref<2000x8xf32, #tpu.memory_space<vmem>>) target(%dma_start3A_174 : memref<100096x8xf32, #tpu.memory_space<vmem_shared>>) offsets(%dma_start3A_171 : memref<2000xi32, #tpu.memory_space<vmem>>) semaphore(%run_scoped3A_164 : memref<!tpu.dma_semaphore, #tpu.memory_space<semaphore_mem>>) {add = true}
          %dma_wait3A_175 = arith.constant 0 : i32
          %dma_wait3A_176 = arith.constant 0 : i32
          %dma_wait3A_177 = tpu.memref_slice %arg10[%run_scoped3A_120, %dma_wait3A_175, %dma_wait3A_176] : memref<4x2000x8xf32, #tpu.memory_space<vmem>> -> memref<1x2000x8xf32, #tpu.memory_space<vmem>>
          %dma_wait3A_178 = tpu.memref_squeeze %dma_wait3A_177 : memref<1x2000x8xf32, #tpu.memory_space<vmem>> -> memref<2000x8xf32, #tpu.memory_space<vmem>>
          %dma_wait3A_179 = arith.constant 0 : i32
          %dma_wait3A_180 = tpu.memref_slice %arg9[%run_scoped3A_121, %dma_wait3A_179] : memref<4x2000xi32, #tpu.memory_space<vmem>> -> memref<1x2000xi32, #tpu.memory_space<vmem>>
          %dma_wait3A_181 = tpu.memref_squeeze %dma_wait3A_180 : memref<1x2000xi32, #tpu.memory_space<vmem>> -> memref<2000xi32, #tpu.memory_space<vmem>>
          %dma_wait3A_182 = arith.constant 0 : i32
          %dma_wait3A_183 = arith.constant 0 : i32
          %dma_wait3A_184 = tpu.memref_slice %arg11[%dma_wait3A_182, %dma_wait3A_183] : memref<100096x8xf32, #tpu.memory_space<vmem_shared>> -> memref<100096x8xf32, #tpu.memory_space<vmem_shared>>
          tpu.wait_indirect_dma semaphore(%run_scoped3A_164 : memref<!tpu.dma_semaphore, #tpu.memory_space<semaphore_mem>>) src(%dma_wait3A_178 : memref<2000x8xf32, #tpu.memory_space<vmem>>) dst(%dma_wait3A_184 : memref<100096x8xf32, #tpu.memory_space<vmem_shared>>)
          tpu.yield
        }) : () -> ()
        %dma_wait3A_122 = arith.constant 1 : i32
        %dma_wait3A_123 = arith.constant 1 : i32
        %dma_wait3A_124 = arith.constant 0 : i32
        %dma_wait3A_125 = arith.constant 0 : i32
        %dma_wait3A_126 = tpu.memref_slice %arg10[%dma_wait3A_123, %dma_wait3A_124, %dma_wait3A_125] : memref<4x2000x8xf32, #tpu.memory_space<vmem>> -> memref<1x2000x8xf32, #tpu.memory_space<vmem>>
        %dma_wait3A_127 = tpu.memref_squeeze %dma_wait3A_126 : memref<1x2000x8xf32, #tpu.memory_space<vmem>> -> memref<2000x8xf32, #tpu.memory_space<vmem>>
        %dma_wait3A_128 = arith.constant 0 : i32
        %dma_wait3A_129 = tpu.memref_slice %arg8[%dma_wait3A_122, %dma_wait3A_128] : memref<4x2000xi32, #tpu.memory_space<vmem>> -> memref<1x2000xi32, #tpu.memory_space<vmem>>
        %dma_wait3A_130 = tpu.memref_squeeze %dma_wait3A_129 : memref<1x2000xi32, #tpu.memory_space<vmem>> -> memref<2000xi32, #tpu.memory_space<vmem>>
        %dma_wait3A_131 = arith.constant 0 : i32
        %dma_wait3A_132 = arith.constant 0 : i32
        %dma_wait3A_133 = tpu.memref_slice %arg3[%dma_wait3A_131, %dma_wait3A_132] : memref<100000x8xf32, #tpu.memory_space<hbm>> -> memref<100000x8xf32, #tpu.memory_space<hbm>>
        tpu.wait_indirect_dma semaphore(%arg13 : memref<!tpu.dma_semaphore, #tpu.memory_space<semaphore_mem>>) src(%dma_wait3A_133 : memref<100000x8xf32, #tpu.memory_space<hbm>>) dst(%dma_wait3A_127 : memref<2000x8xf32, #tpu.memory_space<vmem>>)
        %run_scoped3A_134 = arith.constant 1 : i32
        %run_scoped3A_135 = arith.constant 1 : i32
        "tpu.region"() ({
          %run_scoped3A_164 = tpu.sem_alloc : memref<!tpu.dma_semaphore, #tpu.memory_space<semaphore_mem>>
          %dma_start3A_165 = arith.constant 0 : i32
          %dma_start3A_166 = arith.constant 0 : i32
          %dma_start3A_167 = tpu.memref_slice %arg10[%run_scoped3A_134, %dma_start3A_165, %dma_start3A_166] : memref<4x2000x8xf32, #tpu.memory_space<vmem>> -> memref<1x2000x8xf32, #tpu.memory_space<vmem>>
          %dma_start3A_168 = tpu.memref_squeeze %dma_start3A_167 : memref<1x2000x8xf32, #tpu.memory_space<vmem>> -> memref<2000x8xf32, #tpu.memory_space<vmem>>
          %dma_start3A_169 = arith.constant 0 : i32
          %dma_start3A_170 = tpu.memref_slice %arg9[%run_scoped3A_135, %dma_start3A_169] : memref<4x2000xi32, #tpu.memory_space<vmem>> -> memref<1x2000xi32, #tpu.memory_space<vmem>>
          %dma_start3A_171 = tpu.memref_squeeze %dma_start3A_170 : memref<1x2000xi32, #tpu.memory_space<vmem>> -> memref<2000xi32, #tpu.memory_space<vmem>>
          %dma_start3A_172 = arith.constant 0 : i32
          %dma_start3A_173 = arith.constant 0 : i32
          %dma_start3A_174 = tpu.memref_slice %arg11[%dma_start3A_172, %dma_start3A_173] : memref<100096x8xf32, #tpu.memory_space<vmem_shared>> -> memref<100096x8xf32, #tpu.memory_space<vmem_shared>>
          tpu.enqueue_indirect_dma source(%dma_start3A_168 : memref<2000x8xf32, #tpu.memory_space<vmem>>) target(%dma_start3A_174 : memref<100096x8xf32, #tpu.memory_space<vmem_shared>>) offsets(%dma_start3A_171 : memref<2000xi32, #tpu.memory_space<vmem>>) semaphore(%run_scoped3A_164 : memref<!tpu.dma_semaphore, #tpu.memory_space<semaphore_mem>>) {add = true}
          %dma_wait3A_175 = arith.constant 0 : i32
          %dma_wait3A_176 = arith.constant 0 : i32
          %dma_wait3A_177 = tpu.memref_slice %arg10[%run_scoped3A_134, %dma_wait3A_175, %dma_wait3A_176] : memref<4x2000x8xf32, #tpu.memory_space<vmem>> -> memref<1x2000x8xf32, #tpu.memory_space<vmem>>
          %dma_wait3A_178 = tpu.memref_squeeze %dma_wait3A_177 : memref<1x2000x8xf32, #tpu.memory_space<vmem>> -> memref<2000x8xf32, #tpu.memory_space<vmem>>
          %dma_wait3A_179 = arith.constant 0 : i32
          %dma_wait3A_180 = tpu.memref_slice %arg9[%run_scoped3A_135, %dma_wait3A_179] : memref<4x2000xi32, #tpu.memory_space<vmem>> -> memref<1x2000xi32, #tpu.memory_space<vmem>>
          %dma_wait3A_181 = tpu.memref_squeeze %dma_wait3A_180 : memref<1x2000xi32, #tpu.memory_space<vmem>> -> memref<2000xi32, #tpu.memory_space<vmem>>
          %dma_wait3A_182 = arith.constant 0 : i32
          %dma_wait3A_183 = arith.constant 0 : i32
          %dma_wait3A_184 = tpu.memref_slice %arg11[%dma_wait3A_182, %dma_wait3A_183] : memref<100096x8xf32, #tpu.memory_space<vmem_shared>> -> memref<100096x8xf32, #tpu.memory_space<vmem_shared>>
          tpu.wait_indirect_dma semaphore(%run_scoped3A_164 : memref<!tpu.dma_semaphore, #tpu.memory_space<semaphore_mem>>) src(%dma_wait3A_178 : memref<2000x8xf32, #tpu.memory_space<vmem>>) dst(%dma_wait3A_184 : memref<100096x8xf32, #tpu.memory_space<vmem_shared>>)
          tpu.yield
        }) : () -> ()
        %dma_wait3A_136 = arith.constant 2 : i32
        %dma_wait3A_137 = arith.constant 2 : i32
        %dma_wait3A_138 = arith.constant 0 : i32
        %dma_wait3A_139 = arith.constant 0 : i32
        %dma_wait3A_140 = tpu.memref_slice %arg10[%dma_wait3A_137, %dma_wait3A_138, %dma_wait3A_139] : memref<4x2000x8xf32, #tpu.memory_space<vmem>> -> memref<1x2000x8xf32, #tpu.memory_space<vmem>>
        %dma_wait3A_141 = tpu.memref_squeeze %dma_wait3A_140 : memref<1x2000x8xf32, #tpu.memory_space<vmem>> -> memref<2000x8xf32, #tpu.memory_space<vmem>>
        %dma_wait3A_142 = arith.constant 0 : i32
        %dma_wait3A_143 = tpu.memref_slice %arg8[%dma_wait3A_136, %dma_wait3A_142] : memref<4x2000xi32, #tpu.memory_space<vmem>> -> memref<1x2000xi32, #tpu.memory_space<vmem>>
        %dma_wait3A_144 = tpu.memref_squeeze %dma_wait3A_143 : memref<1x2000xi32, #tpu.memory_space<vmem>> -> memref<2000xi32, #tpu.memory_space<vmem>>
        %dma_wait3A_145 = arith.constant 0 : i32
        %dma_wait3A_146 = arith.constant 0 : i32
        %dma_wait3A_147 = tpu.memref_slice %arg3[%dma_wait3A_145, %dma_wait3A_146] : memref<100000x8xf32, #tpu.memory_space<hbm>> -> memref<100000x8xf32, #tpu.memory_space<hbm>>
        tpu.wait_indirect_dma semaphore(%arg14 : memref<!tpu.dma_semaphore, #tpu.memory_space<semaphore_mem>>) src(%dma_wait3A_147 : memref<100000x8xf32, #tpu.memory_space<hbm>>) dst(%dma_wait3A_141 : memref<2000x8xf32, #tpu.memory_space<vmem>>)
        %run_scoped3A_148 = arith.constant 2 : i32
        %run_scoped3A_149 = arith.constant 2 : i32
        "tpu.region"() ({
          %run_scoped3A_164 = tpu.sem_alloc : memref<!tpu.dma_semaphore, #tpu.memory_space<semaphore_mem>>
          %dma_start3A_165 = arith.constant 0 : i32
          %dma_start3A_166 = arith.constant 0 : i32
          %dma_start3A_167 = tpu.memref_slice %arg10[%run_scoped3A_148, %dma_start3A_165, %dma_start3A_166] : memref<4x2000x8xf32, #tpu.memory_space<vmem>> -> memref<1x2000x8xf32, #tpu.memory_space<vmem>>
          %dma_start3A_168 = tpu.memref_squeeze %dma_start3A_167 : memref<1x2000x8xf32, #tpu.memory_space<vmem>> -> memref<2000x8xf32, #tpu.memory_space<vmem>>
          %dma_start3A_169 = arith.constant 0 : i32
          %dma_start3A_170 = tpu.memref_slice %arg9[%run_scoped3A_149, %dma_start3A_169] : memref<4x2000xi32, #tpu.memory_space<vmem>> -> memref<1x2000xi32, #tpu.memory_space<vmem>>
          %dma_start3A_171 = tpu.memref_squeeze %dma_start3A_170 : memref<1x2000xi32, #tpu.memory_space<vmem>> -> memref<2000xi32, #tpu.memory_space<vmem>>
          %dma_start3A_172 = arith.constant 0 : i32
          %dma_start3A_173 = arith.constant 0 : i32
          %dma_start3A_174 = tpu.memref_slice %arg11[%dma_start3A_172, %dma_start3A_173] : memref<100096x8xf32, #tpu.memory_space<vmem_shared>> -> memref<100096x8xf32, #tpu.memory_space<vmem_shared>>
          tpu.enqueue_indirect_dma source(%dma_start3A_168 : memref<2000x8xf32, #tpu.memory_space<vmem>>) target(%dma_start3A_174 : memref<100096x8xf32, #tpu.memory_space<vmem_shared>>) offsets(%dma_start3A_171 : memref<2000xi32, #tpu.memory_space<vmem>>) semaphore(%run_scoped3A_164 : memref<!tpu.dma_semaphore, #tpu.memory_space<semaphore_mem>>) {add = true}
          %dma_wait3A_175 = arith.constant 0 : i32
          %dma_wait3A_176 = arith.constant 0 : i32
          %dma_wait3A_177 = tpu.memref_slice %arg10[%run_scoped3A_148, %dma_wait3A_175, %dma_wait3A_176] : memref<4x2000x8xf32, #tpu.memory_space<vmem>> -> memref<1x2000x8xf32, #tpu.memory_space<vmem>>
          %dma_wait3A_178 = tpu.memref_squeeze %dma_wait3A_177 : memref<1x2000x8xf32, #tpu.memory_space<vmem>> -> memref<2000x8xf32, #tpu.memory_space<vmem>>
          %dma_wait3A_179 = arith.constant 0 : i32
          %dma_wait3A_180 = tpu.memref_slice %arg9[%run_scoped3A_149, %dma_wait3A_179] : memref<4x2000xi32, #tpu.memory_space<vmem>> -> memref<1x2000xi32, #tpu.memory_space<vmem>>
          %dma_wait3A_181 = tpu.memref_squeeze %dma_wait3A_180 : memref<1x2000xi32, #tpu.memory_space<vmem>> -> memref<2000xi32, #tpu.memory_space<vmem>>
          %dma_wait3A_182 = arith.constant 0 : i32
          %dma_wait3A_183 = arith.constant 0 : i32
          %dma_wait3A_184 = tpu.memref_slice %arg11[%dma_wait3A_182, %dma_wait3A_183] : memref<100096x8xf32, #tpu.memory_space<vmem_shared>> -> memref<100096x8xf32, #tpu.memory_space<vmem_shared>>
          tpu.wait_indirect_dma semaphore(%run_scoped3A_164 : memref<!tpu.dma_semaphore, #tpu.memory_space<semaphore_mem>>) src(%dma_wait3A_178 : memref<2000x8xf32, #tpu.memory_space<vmem>>) dst(%dma_wait3A_184 : memref<100096x8xf32, #tpu.memory_space<vmem_shared>>)
          tpu.yield
        }) : () -> ()
        %dma_wait3A_150 = arith.constant 3 : i32
        %dma_wait3A_151 = arith.constant 3 : i32
        %dma_wait3A_152 = arith.constant 0 : i32
        %dma_wait3A_153 = arith.constant 0 : i32
        %dma_wait3A_154 = tpu.memref_slice %arg10[%dma_wait3A_151, %dma_wait3A_152, %dma_wait3A_153] : memref<4x2000x8xf32, #tpu.memory_space<vmem>> -> memref<1x2000x8xf32, #tpu.memory_space<vmem>>
        %dma_wait3A_155 = tpu.memref_squeeze %dma_wait3A_154 : memref<1x2000x8xf32, #tpu.memory_space<vmem>> -> memref<2000x8xf32, #tpu.memory_space<vmem>>
        %dma_wait3A_156 = arith.constant 0 : i32
        %dma_wait3A_157 = tpu.memref_slice %arg8[%dma_wait3A_150, %dma_wait3A_156] : memref<4x2000xi32, #tpu.memory_space<vmem>> -> memref<1x2000xi32, #tpu.memory_space<vmem>>
        %dma_wait3A_158 = tpu.memref_squeeze %dma_wait3A_157 : memref<1x2000xi32, #tpu.memory_space<vmem>> -> memref<2000xi32, #tpu.memory_space<vmem>>
        %dma_wait3A_159 = arith.constant 0 : i32
        %dma_wait3A_160 = arith.constant 0 : i32
        %dma_wait3A_161 = tpu.memref_slice %arg3[%dma_wait3A_159, %dma_wait3A_160] : memref<100000x8xf32, #tpu.memory_space<hbm>> -> memref<100000x8xf32, #tpu.memory_space<hbm>>
        tpu.wait_indirect_dma semaphore(%arg15 : memref<!tpu.dma_semaphore, #tpu.memory_space<semaphore_mem>>) src(%dma_wait3A_161 : memref<100000x8xf32, #tpu.memory_space<hbm>>) dst(%dma_wait3A_155 : memref<2000x8xf32, #tpu.memory_space<vmem>>)
        %run_scoped3A_162 = arith.constant 3 : i32
        %run_scoped3A_163 = arith.constant 3 : i32
        "tpu.region"() ({
          %run_scoped3A_164 = tpu.sem_alloc : memref<!tpu.dma_semaphore, #tpu.memory_space<semaphore_mem>>
          %dma_start3A_165 = arith.constant 0 : i32
          %dma_start3A_166 = arith.constant 0 : i32
          %dma_start3A_167 = tpu.memref_slice %arg10[%run_scoped3A_162, %dma_start3A_165, %dma_start3A_166] : memref<4x2000x8xf32, #tpu.memory_space<vmem>> -> memref<1x2000x8xf32, #tpu.memory_space<vmem>>
          %dma_start3A_168 = tpu.memref_squeeze %dma_start3A_167 : memref<1x2000x8xf32, #tpu.memory_space<vmem>> -> memref<2000x8xf32, #tpu.memory_space<vmem>>
          %dma_start3A_169 = arith.constant 0 : i32
          %dma_start3A_170 = tpu.memref_slice %arg9[%run_scoped3A_163, %dma_start3A_169] : memref<4x2000xi32, #tpu.memory_space<vmem>> -> memref<1x2000xi32, #tpu.memory_space<vmem>>
          %dma_start3A_171 = tpu.memref_squeeze %dma_start3A_170 : memref<1x2000xi32, #tpu.memory_space<vmem>> -> memref<2000xi32, #tpu.memory_space<vmem>>
          %dma_start3A_172 = arith.constant 0 : i32
          %dma_start3A_173 = arith.constant 0 : i32
          %dma_start3A_174 = tpu.memref_slice %arg11[%dma_start3A_172, %dma_start3A_173] : memref<100096x8xf32, #tpu.memory_space<vmem_shared>> -> memref<100096x8xf32, #tpu.memory_space<vmem_shared>>
          tpu.enqueue_indirect_dma source(%dma_start3A_168 : memref<2000x8xf32, #tpu.memory_space<vmem>>) target(%dma_start3A_174 : memref<100096x8xf32, #tpu.memory_space<vmem_shared>>) offsets(%dma_start3A_171 : memref<2000xi32, #tpu.memory_space<vmem>>) semaphore(%run_scoped3A_164 : memref<!tpu.dma_semaphore, #tpu.memory_space<semaphore_mem>>) {add = true}
          %dma_wait3A_175 = arith.constant 0 : i32
          %dma_wait3A_176 = arith.constant 0 : i32
          %dma_wait3A_177 = tpu.memref_slice %arg10[%run_scoped3A_162, %dma_wait3A_175, %dma_wait3A_176] : memref<4x2000x8xf32, #tpu.memory_space<vmem>> -> memref<1x2000x8xf32, #tpu.memory_space<vmem>>
          %dma_wait3A_178 = tpu.memref_squeeze %dma_wait3A_177 : memref<1x2000x8xf32, #tpu.memory_space<vmem>> -> memref<2000x8xf32, #tpu.memory_space<vmem>>
          %dma_wait3A_179 = arith.constant 0 : i32
          %dma_wait3A_180 = tpu.memref_slice %arg9[%run_scoped3A_163, %dma_wait3A_179] : memref<4x2000xi32, #tpu.memory_space<vmem>> -> memref<1x2000xi32, #tpu.memory_space<vmem>>
          %dma_wait3A_181 = tpu.memref_squeeze %dma_wait3A_180 : memref<1x2000xi32, #tpu.memory_space<vmem>> -> memref<2000xi32, #tpu.memory_space<vmem>>
          %dma_wait3A_182 = arith.constant 0 : i32
          %dma_wait3A_183 = arith.constant 0 : i32
          %dma_wait3A_184 = tpu.memref_slice %arg11[%dma_wait3A_182, %dma_wait3A_183] : memref<100096x8xf32, #tpu.memory_space<vmem_shared>> -> memref<100096x8xf32, #tpu.memory_space<vmem_shared>>
          tpu.wait_indirect_dma semaphore(%run_scoped3A_164 : memref<!tpu.dma_semaphore, #tpu.memory_space<semaphore_mem>>) src(%dma_wait3A_178 : memref<2000x8xf32, #tpu.memory_space<vmem>>) dst(%dma_wait3A_184 : memref<100096x8xf32, #tpu.memory_space<vmem_shared>>)
          tpu.yield
        }) : () -> ()
      }
      %scan3A_25 = arith.constant 25 : i32
    } else {
    }
    %barrier3A_8 = arith.constant 0 : index
    tpu.barrier barrier_id(%barrier3A_8)
    %eq3A_9 = arith.constant 0 : i32
    %eq3A_10 = arith.cmpi eq, %arg0, %eq3A_9 : i32
    %convert_element_type3A_11 = arith.extui %eq3A_10 : i1 to i32
    %cond3A_12 = arith.constant 0 : i32
    %cond3A_13 = arith.cmpi ne, %convert_element_type3A_11, %cond3A_12 : i32
    scf.if %cond3A_13 {
      %run_scoped3A = arith.constant 0 : i32
      "tpu.region"() ({
        %run_scoped3A_19 = tpu.sem_alloc : memref<!tpu.dma_semaphore, #tpu.memory_space<semaphore_mem>>
        %dma_start3A = arith.constant 0 : i32
        %dma_start3A_20 = tpu.memref_slice %arg7[%run_scoped3A, %mul3A_0, %dma_start3A] : memref<2x100096x8xf32, #tpu.memory_space<hbm>> -> memref<1x6256x8xf32, #tpu.memory_space<hbm>>
        %dma_start3A_21 = tpu.memref_squeeze %dma_start3A_20 : memref<1x6256x8xf32, #tpu.memory_space<hbm>> -> memref<6256x8xf32, #tpu.memory_space<hbm>>
        %dma_start3A_22 = arith.constant 0 : i32
        %dma_start3A_23 = tpu.memref_slice %arg11[%mul3A_0, %dma_start3A_22] : memref<100096x8xf32, #tpu.memory_space<vmem_shared>> -> memref<6256x8xf32, #tpu.memory_space<vmem_shared>>
        tpu.enqueue_dma source(%dma_start3A_23 : memref<6256x8xf32, #tpu.memory_space<vmem_shared>>) target(%dma_start3A_21 : memref<6256x8xf32, #tpu.memory_space<hbm>>) target_semaphore(%run_scoped3A_19 : memref<!tpu.dma_semaphore, #tpu.memory_space<semaphore_mem>>)
        %dma_wait3A = arith.constant 0 : i32
        %dma_wait3A_24 = tpu.memref_slice %arg7[%run_scoped3A, %mul3A_0, %dma_wait3A] : memref<2x100096x8xf32, #tpu.memory_space<hbm>> -> memref<1x6256x8xf32, #tpu.memory_space<hbm>>
        %dma_wait3A_25 = tpu.memref_squeeze %dma_wait3A_24 : memref<1x6256x8xf32, #tpu.memory_space<hbm>> -> memref<6256x8xf32, #tpu.memory_space<hbm>>
        %dma_wait3A_26 = arith.constant 0 : i32
        %dma_wait3A_27 = tpu.memref_slice %arg11[%mul3A_0, %dma_wait3A_26] : memref<100096x8xf32, #tpu.memory_space<vmem_shared>> -> memref<6256x8xf32, #tpu.memory_space<vmem_shared>>
        tpu.wait_dma2 semaphore(%run_scoped3A_19 : memref<!tpu.dma_semaphore, #tpu.memory_space<semaphore_mem>>) src(%dma_wait3A_27 : memref<6256x8xf32, #tpu.memory_space<vmem_shared>>) dst(%dma_wait3A_25 : memref<6256x8xf32, #tpu.memory_space<hbm>>)
        tpu.yield
      }) : () -> ()
    } else {
    }
    %eq3A_14 = arith.constant 1 : i32
    %eq3A_15 = arith.cmpi eq, %arg0, %eq3A_14 : i32
    %convert_element_type3A_16 = arith.extui %eq3A_15 : i1 to i32
    %cond3A_17 = arith.constant 0 : i32
    %cond3A_18 = arith.cmpi ne, %convert_element_type3A_16, %cond3A_17 : i32
    scf.if %cond3A_18 {
      %run_scoped3A = arith.constant 1 : i32
      "tpu.region"() ({
        %run_scoped3A_19 = tpu.sem_alloc : memref<!tpu.dma_semaphore, #tpu.memory_space<semaphore_mem>>
        %dma_start3A = arith.constant 0 : i32
        %dma_start3A_20 = tpu.memref_slice %arg7[%run_scoped3A, %mul3A_0, %dma_start3A] : memref<2x100096x8xf32, #tpu.memory_space<hbm>> -> memref<1x6256x8xf32, #tpu.memory_space<hbm>>
        %dma_start3A_21 = tpu.memref_squeeze %dma_start3A_20 : memref<1x6256x8xf32, #tpu.memory_space<hbm>> -> memref<6256x8xf32, #tpu.memory_space<hbm>>
        %dma_start3A_22 = arith.constant 0 : i32
        %dma_start3A_23 = tpu.memref_slice %arg11[%mul3A_0, %dma_start3A_22] : memref<100096x8xf32, #tpu.memory_space<vmem_shared>> -> memref<6256x8xf32, #tpu.memory_space<vmem_shared>>
        tpu.enqueue_dma source(%dma_start3A_23 : memref<6256x8xf32, #tpu.memory_space<vmem_shared>>) target(%dma_start3A_21 : memref<6256x8xf32, #tpu.memory_space<hbm>>) target_semaphore(%run_scoped3A_19 : memref<!tpu.dma_semaphore, #tpu.memory_space<semaphore_mem>>)
        %dma_wait3A = arith.constant 0 : i32
        %dma_wait3A_24 = tpu.memref_slice %arg7[%run_scoped3A, %mul3A_0, %dma_wait3A] : memref<2x100096x8xf32, #tpu.memory_space<hbm>> -> memref<1x6256x8xf32, #tpu.memory_space<hbm>>
        %dma_wait3A_25 = tpu.memref_squeeze %dma_wait3A_24 : memref<1x6256x8xf32, #tpu.memory_space<hbm>> -> memref<6256x8xf32, #tpu.memory_space<hbm>>
        %dma_wait3A_26 = arith.constant 0 : i32
        %dma_wait3A_27 = tpu.memref_slice %arg11[%mul3A_0, %dma_wait3A_26] : memref<100096x8xf32, #tpu.memory_space<vmem_shared>> -> memref<6256x8xf32, #tpu.memory_space<vmem_shared>>
        tpu.wait_dma2 semaphore(%run_scoped3A_19 : memref<!tpu.dma_semaphore, #tpu.memory_space<semaphore_mem>>) src(%dma_wait3A_27 : memref<6256x8xf32, #tpu.memory_space<vmem_shared>>) dst(%dma_wait3A_25 : memref<6256x8xf32, #tpu.memory_space<hbm>>)
        tpu.yield
      }) : () -> ()
    } else {
    }
    return
  }
}

module attributes {stable_mosaic.version = 14 : i64} {
  func.func @_proj_body(%arg0: i32, %arg1: memref<1000x128xf32, #tpu.memory_space<vmem>>, %arg2: memref<1000x128xf32, #tpu.memory_space<vmem>>, %arg3: memref<128x2xf32, #tpu.memory_space<vmem>>, %arg4: memref<128x2xf32, #tpu.memory_space<vmem>>, %arg5: memref<1x2xf32, #tpu.memory_space<vmem>>, %arg6: memref<1x2xf32, #tpu.memory_space<vmem>>, %arg7: memref<1000x8xf32, #tpu.memory_space<vmem>>, %arg8: memref<1000x8xf32, #tpu.memory_space<vmem>>) attributes {dimension_semantics = [#tpu.dimension_semantics<arbitrary>], iteration_bounds = array<i64: 100>, scalar_prefetch = 0 : i64, scratch_operands = 0 : i64, tpu.core_type = #tpu.core_type<tc>, window_params = [{transform_indices = @transform_0, window_bounds = array<i64: 1000, 128>}, {transform_indices = @transform_1, window_bounds = array<i64: 1000, 128>}, {pipeline_mode = #tpu.pipeline_mode<synchronous>, transform_indices = @transform_2, window_bounds = array<i64: 128, 2>}, {pipeline_mode = #tpu.pipeline_mode<synchronous>, transform_indices = @transform_3, window_bounds = array<i64: 128, 2>}, {pipeline_mode = #tpu.pipeline_mode<synchronous>, transform_indices = @transform_4, window_bounds = array<i64: 1, 2>}, {pipeline_mode = #tpu.pipeline_mode<synchronous>, transform_indices = @transform_5, window_bounds = array<i64: 1, 2>}, {transform_indices = @transform_6, window_bounds = array<i64: 1000, 8>}, {transform_indices = @transform_7, window_bounds = array<i64: 1000, 8>}]} {
    %broadcast_in_dim3A = arith.constant 1.000000e+00 : f32
    %broadcast_in_dim3A_0 = vector.broadcast %broadcast_in_dim3A : f32 to vector<1000x1xf32>
    %broadcast_in_dim3A_1 = arith.constant 0.000000e+00 : f32
    %broadcast_in_dim3A_2 = vector.broadcast %broadcast_in_dim3A_1 : f32 to vector<1000x5xf32>
    %get3A = arith.constant 0 : index
    %get3A_3 = arith.constant 0 : index
    %get3A_4 = vector.load %arg1[%get3A, %get3A_3] : memref<1000x128xf32, #tpu.memory_space<vmem>>, vector<1000x128xf32>
    %get3A_5 = arith.constant 0 : index
    %get3A_6 = arith.constant 0 : index
    %get3A_7 = vector.load %arg3[%get3A_5, %get3A_6] : memref<128x2xf32, #tpu.memory_space<vmem>>, vector<128x2xf32>
    %dot_general3A = arith.constant dense<0.000000e+00> : vector<1000x2xf32>
    %dot_general3A_8 = tpu.matmul %get3A_4, %get3A_7, %dot_general3A {dimension_numbers = #tpu.dot_dimension_numbers<[1], [0], [0], [1], [0, 0, 1, 1], [], []>, transpose_lhs_hint = false} : vector<1000x128xf32>, vector<128x2xf32>, vector<1000x2xf32> -> vector<1000x2xf32>
    %get3A_9 = arith.constant 0 : index
    %get3A_10 = arith.constant 0 : index
    %get3A_11 = vector.load %arg5[%get3A_9, %get3A_10] : memref<1x2xf32, #tpu.memory_space<vmem>>, vector<1x2xf32>
    %add3A = vector.broadcast %get3A_11 : vector<1x2xf32> to vector<1000x2xf32>
    %add3A_12 = arith.addf %dot_general3A_8, %add3A : vector<1000x2xf32>
    %concatenate3A = tpu.concatenate %add3A_12, %broadcast_in_dim3A_0, %broadcast_in_dim3A_2 in 1 : vector<1000x2xf32>, vector<1000x1xf32>, vector<1000x5xf32> -> vector<1000x8xf32>
    %swap3A = arith.constant 0 : index
    %swap3A_13 = arith.constant 0 : index
    %swap3A_14 = vector.load %arg7[%swap3A, %swap3A_13] : memref<1000x8xf32, #tpu.memory_space<vmem>>, vector<1000x8xf32>
    tpu.vector_store %arg7[%swap3A, %swap3A_13], %concatenate3A {strides = array<i32>} : memref<1000x8xf32, #tpu.memory_space<vmem>>, vector<1000x8xf32>,
    %get3A_15 = arith.constant 0 : index
    %get3A_16 = arith.constant 0 : index
    %get3A_17 = vector.load %arg2[%get3A_15, %get3A_16] : memref<1000x128xf32, #tpu.memory_space<vmem>>, vector<1000x128xf32>
    %get3A_18 = arith.constant 0 : index
    %get3A_19 = arith.constant 0 : index
    %get3A_20 = vector.load %arg4[%get3A_18, %get3A_19] : memref<128x2xf32, #tpu.memory_space<vmem>>, vector<128x2xf32>
    %dot_general3A_21 = arith.constant dense<0.000000e+00> : vector<1000x2xf32>
    %dot_general3A_22 = tpu.matmul %get3A_17, %get3A_20, %dot_general3A_21 {dimension_numbers = #tpu.dot_dimension_numbers<[1], [0], [0], [1], [0, 0, 1, 1], [], []>, transpose_lhs_hint = false} : vector<1000x128xf32>, vector<128x2xf32>, vector<1000x2xf32> -> vector<1000x2xf32>
    %get3A_23 = arith.constant 0 : index
    %get3A_24 = arith.constant 0 : index
    %get3A_25 = vector.load %arg6[%get3A_23, %get3A_24] : memref<1x2xf32, #tpu.memory_space<vmem>>, vector<1x2xf32>
    %add3A_26 = vector.broadcast %get3A_25 : vector<1x2xf32> to vector<1000x2xf32>
    %add3A_27 = arith.addf %dot_general3A_22, %add3A_26 : vector<1000x2xf32>
    %concatenate3A_28 = tpu.concatenate %add3A_27, %broadcast_in_dim3A_0, %broadcast_in_dim3A_2 in 1 : vector<1000x2xf32>, vector<1000x1xf32>, vector<1000x5xf32> -> vector<1000x8xf32>
    %swap3A_29 = arith.constant 0 : index
    %swap3A_30 = arith.constant 0 : index
    %swap3A_31 = vector.load %arg8[%swap3A_29, %swap3A_30] : memref<1000x8xf32, #tpu.memory_space<vmem>>, vector<1000x8xf32>
    tpu.vector_store %arg8[%swap3A_29, %swap3A_30], %concatenate3A_28 {strides = array<i32>} : memref<1000x8xf32, #tpu.memory_space<vmem>>, vector<1000x8xf32>,
    return
  }
  func.func @transform_0(%arg0: i32) -> (i32, i32) {
    %c0_i32 = arith.constant 0 : i32
    %c0_i32_0 = arith.constant 0 : i32
    return %arg0, %c0_i32 : i32, i32
  }
  func.func @transform_1(%arg0: i32) -> (i32, i32) {
    %c0_i32 = arith.constant 0 : i32
    %c0_i32_0 = arith.constant 0 : i32
    return %arg0, %c0_i32 : i32, i32
  }
  func.func @transform_2(%arg0: i32) -> (i32, i32) {
    %c0_i32 = arith.constant 0 : i32
    %c0_i32_0 = arith.constant 0 : i32
    %c0_i32_1 = arith.constant 0 : i32
    return %c0_i32, %c0_i32_0 : i32, i32
  }
  func.func @transform_3(%arg0: i32) -> (i32, i32) {
    %c0_i32 = arith.constant 0 : i32
    %c0_i32_0 = arith.constant 0 : i32
    %c0_i32_1 = arith.constant 0 : i32
    return %c0_i32, %c0_i32_0 : i32, i32
  }
  func.func @transform_4(%arg0: i32) -> (i32, i32) {
    %c0_i32 = arith.constant 0 : i32
    %c0_i32_0 = arith.constant 0 : i32
    %c0_i32_1 = arith.constant 0 : i32
    return %c0_i32, %c0_i32_0 : i32, i32
  }
  func.func @transform_5(%arg0: i32) -> (i32, i32) {
    %c0_i32 = arith.constant 0 : i32
    %c0_i32_0 = arith.constant 0 : i32
    %c0_i32_1 = arith.constant 0 : i32
    return %c0_i32, %c0_i32_0 : i32, i32
  }
  func.func @transform_6(%arg0: i32) -> (i32, i32) {
    %c0_i32 = arith.constant 0 : i32
    %c0_i32_0 = arith.constant 0 : i32
    return %arg0, %c0_i32 : i32, i32
  }
  func.func @transform_7(%arg0: i32) -> (i32, i32) {
    %c0_i32 = arith.constant 0 : i32
    %c0_i32_0 = arith.constant 0 : i32
    return %arg0, %c0_i32 : i32, i32
  }
}

module attributes {stable_mosaic.version = 14 : i64} {
  func.func @_fin_body(%arg0: i32, %arg1: memref<2x1000x8xf32, #tpu.memory_space<vmem>>, %arg2: memref<2x1000x2xf32, #tpu.memory_space<vmem>>) attributes {dimension_semantics = [#tpu.dimension_semantics<arbitrary>], iteration_bounds = array<i64: 100>, scalar_prefetch = 0 : i64, scratch_operands = 0 : i64, tpu.core_type = #tpu.core_type<tc>, window_params = [{transform_indices = @transform_0, window_bounds = array<i64: 2, 1000, 8>}, {transform_indices = @transform_1, window_bounds = array<i64: 2, 1000, 2>}]} {
    %get3A = arith.constant 0 : index
    %get3A_0 = arith.constant 0 : index
    %get3A_1 = arith.constant 0 : index
    %get3A_2 = vector.load %arg1[%get3A, %get3A_0, %get3A_1] : memref<2x1000x8xf32, #tpu.memory_space<vmem>>, vector<2x1000x8xf32>
    %slice3A = vector.extract_strided_slice %get3A_2 {offsets = [0, 0, 0], sizes = [2, 1000, 2], strides = [1, 1, 1]} : vector<2x1000x8xf32> to vector<2x1000x2xf32>
    %slice3A_3 = vector.extract_strided_slice %get3A_2 {offsets = [0, 0, 2], sizes = [2, 1000, 1], strides = [1, 1, 1]} : vector<2x1000x8xf32> to vector<2x1000x1xf32>
    %gt3A = arith.constant 0.000000e+00 : f32
    %gt3A_4 = vector.broadcast %gt3A : f32 to vector<2x1000x1xf32>
    %gt3A_5 = arith.cmpf ogt, %slice3A_3, %gt3A_4 : vector<2x1000x1xf32>
    %max3A = arith.constant 1.000000e+00 : f32
    %max3A_6 = vector.broadcast %max3A : f32 to vector<2x1000x1xf32>
    %max3A_7 = arith.maximumf %slice3A_3, %max3A_6 : vector<2x1000x1xf32>
    %div3A = vector.broadcast %max3A_7 : vector<2x1000x1xf32> to vector<2x1000x2xf32>
    %div3A_8 = arith.divf %slice3A, %div3A : vector<2x1000x2xf32>
    %jit3A = arith.constant 0.000000e+00 : f32
    %broadcast_in_dim3A = vector.shape_cast %gt3A_5 : vector<2x1000x1xi1> to vector<2x1000x1xi1>
    %broadcast_in_dim3A_9 = vector.broadcast %broadcast_in_dim3A : vector<2x1000x1xi1> to vector<2x1000x2xi1>
    %broadcast_in_dim3A_10 = vector.broadcast %jit3A : f32 to vector<2x1000x2xf32>
    %select_n3A = arith.select %broadcast_in_dim3A_9, %div3A_8, %broadcast_in_dim3A_10 : vector<2x1000x2xi1>, vector<2x1000x2xf32>
    %swap3A = arith.constant 0 : index
    %swap3A_11 = arith.constant 0 : index
    %swap3A_12 = arith.constant 0 : index
    %swap3A_13 = vector.load %arg2[%swap3A, %swap3A_11, %swap3A_12] : memref<2x1000x2xf32, #tpu.memory_space<vmem>>, vector<2x1000x2xf32>
    tpu.vector_store %arg2[%swap3A, %swap3A_11, %swap3A_12], %select_n3A {strides = array<i32>} : memref<2x1000x2xf32, #tpu.memory_space<vmem>>, vector<2x1000x2xf32>,
    return
  }
  func.func @transform_0(%arg0: i32) -> (i32, i32, i32) {
    %c0_i32 = arith.constant 0 : i32
    %c0_i32_0 = arith.constant 0 : i32
    %c0_i32_1 = arith.constant 0 : i32
    return %c0_i32, %arg0, %c0_i32_0 : i32, i32, i32
  }
  func.func @transform_1(%arg0: i32) -> (i32, i32, i32) {
    %c0_i32 = arith.constant 0 : i32
    %c0_i32_0 = arith.constant 0 : i32
    %c0_i32_1 = arith.constant 0 : i32
    return %c0_i32, %arg0, %c0_i32_0 : i32, i32, i32
  }
}

</mosaic_0001>

<sc_bundles>
// kernel: kernel.5.cloned.1.call-start
scs
__scs_entry_jumppad:
0x0: {  	(pc) =	sbr.rel $0x88, $3  }
0x1: {  	(tag) =	ssettag $0x0;
	lr =	simm.s32 $0x1  }
0x2: {  	[smem:$0x3F99] =	sst lr;
	_ =	strace $0xD0000000  }
0x3: {  	_ = 	snop  }
0x4: {  	_ = 	snop  }
0x5: {  	_ = 	snop  }
0x6: {  	_ = 	snop  }
0x7: {  	_ = 	snop  }
__scs_overlays_trampoline_lowered:
0x8: {  	[smem:$0x3FA8] =	sst s0  }
0x9: {  	[smem:$0x3FA9] =	sst s1  }
0xa: {  	[smem:$0x3FAA] =	sst s2  }
0xb: {  	[smem:$0x3FAB] =	sst s3  }
0xc: {  	[smem:$0x3FAC] =	sst s4  }
0xd: {  	[smem:$0x3FAD] =	sst s5  }
0xe: {  	[smem:$0x3FAE] =	sst s6  }
0xf: {  	[smem:$0x3FAF] =	sst s7  }
0x10: {  	[smem:$0x3FB0] =	sst s8  }
0x11: {  	[smem:$0x3FB1] =	sst s9;
	s0 =	simm.s32 @!p0 $0x0  }
0x12: {  	s1 =	sld [smem:$0x3F97];
	s0 =	simm.s32 @p0 $0x1  }
0x13: {  	[smem:$0x3FB2] =	sst s0;
	s0 =	simm.s32 @!p1 $0x0  }
0x14: {  	s2 =	sld [smem:$0x3F96];
	s0 =	simm.s32 @p1 $0x1  }
0x15: {  	[smem:$0x3FB3] =	sst s0;
	s0 =	simm.s32 @!p2 $0x0  }
0x16: {  	s3 =	sld [smem:$0x3FDB];
	s0 =	simm.s32 @p2 $0x1  }
0x17: {  	s4 =	simm.s32 $0x1BF5;
	[smem:$0x3FB5] =	sst s0  }
0x18: {  	s0 =	sld [smem:$0x3F98];
	_ =	swait.ge [sflag:s4], $0x0  }
0x19: {  	s7 =	sld [smem:$0x3F99]  }
0x1a: {  	s8 =	sadd.s32 $0xFFFFE003, lr  }
0x1b: {  	s9 =	sadd.s32 $0xFFFFFEF7, lr;
	s5 =	simm.s32 $0xFFFFFFFF;
	p2 =	slt.u32 s8, $0xFFFFF086  }
0x1c: {  	p1 =	slt.u32 s9, $0xF7A;
	s5 =	simm.s32 @!p2 $0x0  }
0x1d: {  	s5 =	simm.s32 @p1 $0x1;
	p0 =	seq.s32 s7, s2  }
0x1e: {  	s7 =	smul.u32 @!p0 $0xF7A, s2;
	p2 =	seq.s32 @!p0 s5, $0x0  }
0x1f: {  	s9 =	smul.u32 $0xF7A, s1;
	s8 =	simm.s32 @!p0 $0x1BF5;
	p2 =	por !p2, p0  }
0x20: {  	[sflag:s8] =	ssyncset.s32 @!p0 $0xFFFFF086;
	s6 =	sadd.s32 @!p0 s3, s7;
	s7 =	simm.s32 @!p0 $0x108  }
0x21: {  	s3 =	sadd.s32 s3, s9;
	s6 =	sadd.s32 @!p0 $0x88, s6;
	s7 =	simm.s32 @p2 $0x1082  }
0x22: {  	[simem:s7], [sflag:s8] =	dma.local @!p0 [hbm:s6], $0xF7A  }
0x23: {  	s9 =	sor.u32 $0xD0000000, s2;
	s6 =	simm.s32 $0x108;
	_ =	swait.ge @!p0 [sflag:s8], $0x0  }
0x24: {  	s3 =	sadd.s32 $0x88, s3;
	s6 =	simm.s32 @!p1 $0x1082;
	[sflag:s4] =	ssyncset.s32 $0xFFFFF086  }
0x25: {  	[simem:s6], [sflag:s4] =	dma.local [hbm:s3], $0xF7A  }
0x26: {  	[smem:$0x3F99] =	sst s1;
	(tag) =	ssettag s2;
	_ =	strace s9  }
0x27: {  	s1 =	sld [smem:$0x3FA9]  }
0x28: {  	s2 =	sld [smem:$0x3FAA]  }
0x29: {  	s4 =	sld [smem:$0x3FAC]  }
0x2a: {  	p0 =	seq.s32 s5, $0x0;
	s5 =	sld [smem:$0x3FAD]  }
0x2b: {  	s6 =	sld [smem:$0x3FAE]  }
0x2c: {  	s7 =	sld [smem:$0x3FAF]  }
0x2d: {  	s3 =	simm.s32 $0x108;
	s8 =	sld [smem:$0x3FB0]  }
0x2e: {  	s3 =	simm.s32 @!p0 $0x1082;
	s9 =	sld [smem:$0x3FB1]  }
0x2f: {  	lr =	sadd.s32 s0, s3;
	s0 =	sld [smem:$0x3FA8]  }
0x30: {  	s3 =	sld [smem:$0x3FAB]  }
0x31: {  	[smem:$0x3FB4] =	sst s10  }
0x32: {  	s10 =	sld [smem:$0x3FB2];
	_ =	sdelay $0x3  }
0x33: {  	p0 =	seq.s32 s10, $0x1;
	s10 =	sld [smem:$0x3FB4];
	_ =	sdelay $0x3  }
0x34: {  	[smem:$0x3FB4] =	sst s10  }
0x35: {  	s10 =	sld [smem:$0x3FB3];
	_ =	sdelay $0x3  }
0x36: {  	p1 =	seq.s32 s10, $0x1;
	s10 =	sld [smem:$0x3FB4];
	_ =	sdelay $0x3  }
0x37: {  	[smem:$0x3FB4] =	sst s10  }
0x38: {  	s10 =	sld [smem:$0x3FB5]  }
0x39: {  	_ = 	snop;
	(pc) =	sbr.ind lr, $3  }
0x3a: {  	_ = 	snop  }
0x3b: {  	_ = 	snop  }
0x3c: {  	p2 =	seq.s32 s10, $0x1;
	s10 =	sld [smem:$0x3FB4]  }
0x3d: {  	_ =	shalt  }
0x3e: {  	_ =	shalt  }
0x3f: {  	_ =	shalt  }
0x40: {  	_ =	shalt  }
0x41: {  	_ =	shalt  }
0x42: {  	_ =	shalt  }
0x43: {  	_ =	shalt  }
0x44: {  	_ =	shalt  }
0x45: {  	_ =	shalt  }
0x46: {  	_ =	shalt  }
0x47: {  	_ =	shalt  }
0x48: {  	_ =	shalt  }
0x49: {  	_ =	shalt  }
0x4a: {  	_ =	shalt  }
0x4b: {  	_ =	shalt  }
0x4c: {  	_ =	shalt  }
0x4d: {  	_ =	shalt  }
0x4e: {  	_ =	shalt  }
0x4f: {  	_ =	shalt  }
0x50: {  	_ =	shalt  }
0x51: {  	_ =	shalt  }
0x52: {  	_ =	shalt  }
0x53: {  	_ =	shalt  }
0x54: {  	_ =	shalt  }
0x55: {  	_ =	shalt  }
0x56: {  	_ =	shalt  }
0x57: {  	_ =	shalt  }
0x58: {  	_ =	shalt  }
0x59: {  	_ =	shalt  }
0x5a: {  	_ =	shalt  }
0x5b: {  	_ =	shalt  }
0x5c: {  	_ =	shalt  }
0x5d: {  	_ =	shalt  }
0x5e: {  	_ =	shalt  }
0x5f: {  	_ =	shalt  }
0x60: {  	_ =	shalt  }
0x61: {  	_ =	shalt  }
0x62: {  	_ =	shalt  }
0x63: {  	_ =	shalt  }
0x64: {  	_ =	shalt  }
0x65: {  	_ =	shalt  }
0x66: {  	_ =	shalt  }
0x67: {  	_ =	shalt  }
0x68: {  	_ =	shalt  }
0x69: {  	_ =	shalt  }
0x6a: {  	_ =	shalt  }
0x6b: {  	_ =	shalt  }
0x6c: {  	_ =	shalt  }
0x6d: {  	_ =	shalt  }
0x6e: {  	_ =	shalt  }
0x6f: {  	_ =	shalt  }
0x70: {  	_ =	shalt  }
0x71: {  	_ =	shalt  }
0x72: {  	_ =	shalt  }
0x73: {  	_ =	shalt  }
0x74: {  	_ =	shalt  }
0x75: {  	_ =	shalt  }
0x76: {  	_ =	shalt  }
0x77: {  	_ =	shalt  }
0x78: {  	_ =	shalt  }
0x79: {  	_ =	shalt  }
0x7a: {  	_ =	shalt  }
0x7b: {  	_ =	shalt  }
0x7c: {  	_ =	shalt  }
0x7d: {  	_ =	shalt  }
0x7e: {  	_ =	shalt  }
0x7f: {  	_ =	shalt  }
0x80: {  	_ =	shalt  }
0x81: {  	_ =	shalt  }
0x82: {  	_ =	shalt  }
0x83: {  	_ =	shalt  }
0x84: {  	_ =	shalt  }
0x85: {  	_ =	shalt  }
0x86: {  	_ =	shalt  }
0x87: {  	_ =	shalt  }
.Lfunc_end0:
.L_simem_size_0:
called_computation_lowered:
.L_overlay_start_0:
0x88: {  	s2 =	sld [smem:$0x3FD9]  }
0x89: {  	s3 =	sld [smem:$0x3FFE];
	_ =	sdelay $0x1  }
0x8a: {  	s1 =	srdreg.scid  }
0x8b: {  	s0 =	sand.u32 $0x1, s1  }
0x8c: {  	s16 =	sshll.u32 s0, $0xA;
	s2 =	sadd.s32 s3, s2  }
0x8d: {  	s2 =	sadd.s32 s2, s16  }
0x8e: {  	[smem:$0x3FC0] =	sst s2  }
0x8f: {  	_ = 	snop  }
0x90: {  	(tm) =	ssettm $0x1  }
0x91: {  	s17 =	sld [smem:$0x3FFB];
	_ =	sdelay $0x3  }
0x92: {  	_ =	strace s17  }
0x93: {  	s2 =	sld [smem:$0x3FFC];
	_ =	sdelay $0x3  }
0x94: {  	_ =	strace s2  }
0x95: {  	s2 =	sld [smem:$0x3FFD];
	_ =	sdelay $0x3  }
0x96: {  	_ =	strace s2  }
0x97: {  	_ =	strace $0x8FFFFFFF  }
0x98: {  	s18 =	sld [smem:$0x3FDB];
	_ =	sdelay $0x1  }
0x99: {  	s19 =	simm.s32 $_scs_section_size  }
0x9a: {  	s4 =	simm.s32 $_size__tile_overlayer_lowered;
	s5 =	simm.s32 $_tile_overlayer_lowered  }
0x9b: {  	s22 =	simm.s32 $0x1BFF;
	s21 =	sshll.u32 s5, $0x1;
	s2 =	sadd.s32 s19, s18  }
0x9c: {  	s6 =	simm.s32 $0x0;
	s20 =	sshll.u32 s4, $0x1;
	s4 =	sadd.s32 s21, s2  }
0x9d: {  	[timem:s6], [sflag:s22] =	dma.local [hbm:s4], s20  }
0x9e: {  	_ =	swait.ge [sflag:s22], s20  }
0x9f: {  	s3 =	ssub.s32 $0x0, s20;
	[sflag:s22] =	ssyncset.done $0x0  }
0xa0: {  	[sflag:s22] =	ssyncadd.s32 s3;
	_ =	sdelay $0x1  }
0xa1: {  	s23 =	simm.s32 $0x1B8B  }
0xa2: {  	_ =	swait.ge [sflag:s23], $0x1  }
0xa3: {  	[sflag:s23] =	ssyncset.done $0x0  }
0xa4: {  	s25 =	simm.s32 $0x1B8E;
	s24 =	sld [smem:$0x3FFE];
	[sflag:s23] =	ssyncadd.s32 $0xFFFFFFFF  }
0xa5: {  	s26 =	simm.s32 $execute0_lowered;
	[smem:$0x3FD2] =	sst s25  }
0xa6: {  	s4 =	sshll.u32 s26, $0x1;
	_ =	strace $0x80000046;
	[dreg:$0x1] =	wrdreg $0xFFFFFFFF  }
0xa7: {  	s28 =	simm.s32 $_size_execute0_lowered;
	s2 =	sadd.s32 s2, s4;
	[dreg:$0x0] =	wrdreg $0x0  }
0xa8: {  	s4 =	sshll.u32 s28, $0x1;
	[dreg:$0x2] =	wrdreg s2  }
0xa9: {  	[dreg:$0x3] =	wrdreg s4  }
0xaa: {  	[dreg:$0x4] =	wrdreg $0xC0  }
0xab: {  	_ =	task [dreg:s6], $0x5FFFF  }
0xac: {  	[dreg:$0x1] =	wrdreg $0xFFFFFFFF  }
0xad: {  	[dreg:$0x0] =	wrdreg $0x60  }
0xae: {  	[dreg:$0x2] =	wrdreg s24  }
0xaf: {  	[dreg:$0x3] =	wrdreg $0x138800  }
0xb0: {  	[dreg:$0x4] =	wrdreg $0x9  }
0xb1: {  	_ =	task.clear_ibuf [dreg:s6], $0x5FFFF;
	_ =	strace $0x90000046  }
0xb2: {  	s29 =	simm.s32 $0x9;
	_ =	strace $0x80000048  }
0xb3: {  	_ =	swait.ge [sflag:s29], $0x1  }
0xb4: {  	[sflag:s29] =	ssyncadd.s32 $0xFFFFFFFF  }
0xb5: {  	_ =	strace $0x90000048  }
0xb6: {  	_ =	sfence  }
0xb7: {  	s30 =	sld [smem:$0x0];
	_ =	sdelay $0x2  }
0xb8: {  	s31 =	sshll.u32 s1, $0xD;
	s1 =	sshrl.u32 s1, $0x2  }
0xb9: {  	s3 =	sand.u32 $0x4000, s31;
	s1 =	sadd.s32 s1, s30  }
0xba: {  	s0 =	sor.u32 s3, s0;
	s1 =	sshll.u32 s1, $0x11  }
0xbb: {  	s0 =	sor.u32 s1, s0  }
0xbc: {  	s0 =	sadd.s32 $0x8F2B, s0  }
0xbd: {  	[sflag:s0] =	ssyncadd.remote.s32 $0x1  }
0xbe: {  	_ =	sfence.sel $0xFFFF  }
0xbf: {  	[dreg:$0x0] =	wrdreg $0xFFFFFFFF;
	(pc) =	sbr.abs _section_cstart, $3  }
0xc0: {  	[dreg:$0x1] =	wrdreg $0xFFFFFFFF  }
0xc1: {  	_ =	task.clear_ibuf [dreg:s6], $0x2FFFF;
	_ =	strace $0x9FFFFFFF  }
0xc2: {  	(tm) =	ssettm $0x7FFFFFFF  }
0xc3: {  	_ =	shalt  }
tec
execute0_lowered:
.L_overlay_start_1:
0x0: {  	(tag) =	ssettag $0x1  }
0x1: {  	s0 =	rddreg [dreg:$0x0]  }
0x2: {  	s2 =	rddreg [dreg:$0x1]  }
0x3: {  	s3 =	simm.s32 $0x0;
	s11 =	stileid.u32;
	s4 =	srdreg.scid  }
0x4: {  	s15 =	simm.s32 $0x5;
	s16 =	simm.s32 $0x1F40;
	s17 =	simm.s32 $0x7D0  }
0x5: {  	s18 =	simm.s32 $0x2710;
	s19 =	simm.s32 $0xFA0;
	s20 =	simm.s32 $0x2EE0  }
0x6: {  	s21 =	simm.s32 $0x1770;
	s22 =	simm.s32 $0x36B0;
	s23 =	simm.s32 $0x3E80  }
0x7: {  	s28 =	simm.s32 $0x1;
	s29 =	simm.s32 $0x2;
	s30 =	simm.s32 $0x3  }
0x8: {  	s31 =	simm.s32 $0x4;
	[smem:$0x7FF] =	sst s3;
	s1 =	smul.u32 $0x61A8, s11  }
0x9: {  	s6 =	smul.u32 $0xC380, s11;
	s7 =	sand.u32 $0x1, s4;
	s4 =	sadd.s32 $0x494C00, s0  }
0xa: {  	s5 =	sadd.s32 $0x187800, s0;
	s25 =	sshll.u32 s11, $0x6;
	_ =	strace $0x80000047  }
0xb: {  	s8 =	ssub.s32 $0x2, s7;
	p0 =	sne.s32 s7, $0x0;
	s1 =	sadd.s32 s1, s0  }
0xc: {  	s12 =	sshrl.u32 s6, $0x3;
	s9 =	sshrl.u32 s8, $0x1;
	s6 =	sadd.s32 s6, s2  }
0xd: {  	s10 =	sadd.s32 s12, s0;
	s0 =	sadd.s32 $0x1B8800, s0;
	s24 =	ssub.s32 s8, s9  }
.Ltmp0:
0xe: {  	s9 =	sor.u32 $0x1C05, s25;
	[dreg:$0x3] =	wrdreg s12;
	(pc) =	sbr.rel .LBB2_1-.Ltmp0, $4  }
0xf: {  	s26 =	sadd.s32 $0x18700, s12;
	s12 =	sadd.s32 $0xC00, s1;
	s13 =	sadd.s32 $0xC4200, s1  }
0x10: {  	s14 =	sshrl.u32 s6, $0x3;
	s25 =	simm.s32 $0xBB80;
	[dreg:$0x4] =	wrdreg s0  }
0x11: {  	s8 =	sadd.s32 $0x1A0000, s10;
	[dreg:$0x5] =	wrdreg s26;
	s11 =	smax.u32 s24, $0x1  }
0x12: {  	s24 =	simm.s32 $0x7D00;
	s26 =	simm.s32 $0xFA00;
	s0 =	simm.s32 $0x0  }
.LBB2_7:
0x13: {  	s1 =	sadd.s32 s1, s12;
	[sflag:s15] =	ssyncadd.s32 $0xFFFFC180  }
0x14: {  	[tilespmem:s3], [sflag:$0x5] =	stream.linear.gather [hbm4b:s1+s3], $0x7D0, $0x38;
	[tilespmem:$0x1FC00] =	vst v63  }
0x15: {  	_ =	swait.ge [sflag:s15], $0x7D0  }
0x16: {  	[sflag:s15] =	ssyncset.done $0x0  }
0x17: {  	s6 =	sadd.s32 $0x61A80, s1;
	[sflag:s15] =	ssyncadd.s32 $0xFFFFF830  }
0x18: {  	[tilespmem:s16], [sflag:$0x5] =	stream.linear.gather [hbm4b:s6+s3], $0x7D0, $0x38;
	[tilespmem:$0x1FC00] =	vst v63  }
0x19: {  	_ =	swait.ge [sflag:s15], $0x7D0  }
0x1a: {  	[sflag:s15] =	ssyncset.done $0x0  }
0x1b: {  	s10 =	sadd.s32 $0xFA, s1;
	[sflag:s15] =	ssyncadd.s32 $0xFFFFF830  }
0x1c: {  	[tilespmem:s17], [sflag:$0x5] =	stream.linear.gather [hbm4b:s10+s3], $0x7D0, $0x38;
	[tilespmem:$0x1FC00] =	vst v63  }
0x1d: {  	_ =	swait.ge [sflag:s15], $0x7D0  }
0x1e: {  	[sflag:s15] =	ssyncset.done $0x0  }
0x1f: {  	s7 =	sadd.s32 $0x61B7A, s1;
	[sflag:s15] =	ssyncadd.s32 $0xFFFFF830  }
0x20: {  	[tilespmem:s18], [sflag:$0x5] =	stream.linear.gather [hbm4b:s7+s3], $0x7D0, $0x38;
	[tilespmem:$0x1FC00] =	vst v63  }
0x21: {  	_ =	swait.ge [sflag:s15], $0x7D0  }
0x22: {  	[sflag:s15] =	ssyncset.done $0x0  }
0x23: {  	s10 =	sadd.s32 $0x1F4, s1;
	[sflag:s15] =	ssyncadd.s32 $0xFFFFF830  }
0x24: {  	[tilespmem:s19], [sflag:$0x5] =	stream.linear.gather [hbm4b:s10+s3], $0x7D0, $0x38;
	[tilespmem:$0x1FC00] =	vst v63  }
0x25: {  	_ =	swait.ge [sflag:s15], $0x7D0  }
0x26: {  	[sflag:s15] =	ssyncset.done $0x0  }
0x27: {  	s7 =	sadd.s32 $0x61C74, s1;
	[sflag:s15] =	ssyncadd.s32 $0xFFFFF830  }
0x28: {  	[tilespmem:s20], [sflag:$0x5] =	stream.linear.gather [hbm4b:s7+s3], $0x7D0, $0x38;
	[tilespmem:$0x1FC00] =	vst v63  }
0x29: {  	_ =	swait.ge [sflag:s15], $0x7D0  }
0x2a: {  	[sflag:s15] =	ssyncset.done $0x0  }
0x2b: {  	s10 =	sadd.s32 $0x2EE, s1;
	[sflag:s15] =	ssyncadd.s32 $0xFFFFF830  }
0x2c: {  	[tilespmem:s21], [sflag:$0x5] =	stream.linear.gather [hbm4b:s10+s3], $0x7D0, $0x38;
	[tilespmem:$0x1FC00] =	vst v63  }
0x2d: {  	_ =	swait.ge [sflag:s15], $0x7D0  }
0x2e: {  	[sflag:s15] =	ssyncset.done $0x0  }
0x2f: {  	s1 =	sadd.s32 $0x61D6E, s1;
	[sflag:s15] =	ssyncadd.s32 $0xFFFFF830  }
0x30: {  	[tilespmem:s22], [sflag:$0x5] =	stream.linear.gather [hbm4b:s1+s3], $0x7D0, $0x38;
	[tilespmem:$0x1FC00] =	vst v63  }
0x31: {  	_ =	swait.ge [sflag:s15], $0x7D0  }
0x32: {  	[sflag:s15] =	ssyncset.done $0x0  }
0x33: {  	[sflag:s15] =	ssyncadd.s32 $0xFFFFF830  }
0x34: {  	[tilespmem:s23], [sflag:$0x1] =	stream.indirect.gather [hbm4b:s5+s17], $0x8, s3, s17, $0xb8;
	[tilespmem:$0x1FC00] =	vst v63  }
0x35: {  	_ = 	snop  }
0x36: {  	[tilespmem:s24], [sflag:$0x2] =	stream.indirect.gather [hbm4b:s5+s17], $0x8, s17, s17, $0xb8;
	[tilespmem:$0x1FC00] =	vst v63  }
0x37: {  	_ = 	snop  }
0x38: {  	[tilespmem:s25], [sflag:$0x3] =	stream.indirect.gather [hbm4b:s5+s17], $0x8, s19, s17, $0xb8;
	[tilespmem:$0x1FC00] =	vst v63  }
0x39: {  	_ = 	snop  }
0x3a: {  	[tilespmem:s26], [sflag:$0x4] =	stream.indirect.gather [hbm4b:s5+s17], $0x8, s21, s17, $0xb8;
	[tilespmem:$0x1FC00] =	vst v63  }
0x3b: {  	_ =	swait.ge [sflag:s28], $0x3E80  }
0x3c: {  	[sflag:s28] =	ssyncset.done $0x0  }
0x3d: {  	[sflag:s28] =	ssyncadd.s32 $0xFFFFC180  }
0x3e: {  	[spmem:s2] =	stream.indirect.scatter.add.f32 [tilespmem:s23], [sflag:$0x5], $0x8, s16, s17, $0xb8;
	[tilespmem:$0x1FC00] =	vst v63  }
0x3f: {  	_ =	swait.ge [sflag:s15], $0x3E80  }
0x40: {  	[sflag:s15] =	ssyncset.done $0x0  }
0x41: {  	[sflag:s15] =	ssyncadd.s32 $0xFFFFC180  }
0x42: {  	_ =	swait.ge [sflag:s29], $0x3E80  }
0x43: {  	[sflag:s29] =	ssyncset.done $0x0  }
0x44: {  	[sflag:s29] =	ssyncadd.s32 $0xFFFFC180  }
0x45: {  	[spmem:s2] =	stream.indirect.scatter.add.f32 [tilespmem:s24], [sflag:$0x5], $0x8, s18, s17, $0xb8;
	[tilespmem:$0x1FC00] =	vst v63  }
0x46: {  	_ =	swait.ge [sflag:s15], $0x3E80  }
0x47: {  	[sflag:s15] =	ssyncset.done $0x0  }
0x48: {  	[sflag:s15] =	ssyncadd.s32 $0xFFFFC180  }
0x49: {  	_ =	swait.ge [sflag:s30], $0x3E80  }
0x4a: {  	[sflag:s30] =	ssyncset.done $0x0  }
0x4b: {  	[sflag:s30] =	ssyncadd.s32 $0xFFFFC180  }
0x4c: {  	[spmem:s2] =	stream.indirect.scatter.add.f32 [tilespmem:s25], [sflag:$0x5], $0x8, s20, s17, $0xb8;
	[tilespmem:$0x1FC00] =	vst v63  }
0x4d: {  	_ =	swait.ge [sflag:s15], $0x3E80  }
0x4e: {  	[sflag:s15] =	ssyncset.done $0x0  }
0x4f: {  	[sflag:s15] =	ssyncadd.s32 $0xFFFFC180  }
0x50: {  	_ =	swait.ge [sflag:s31], $0x3E80  }
0x51: {  	[sflag:s31] =	ssyncset.done $0x0  }
0x52: {  	[sflag:s31] =	ssyncadd.s32 $0xFFFFC180  }
0x53: {  	[spmem:s2] =	stream.indirect.scatter.add.f32 [tilespmem:s26], [sflag:$0x5], $0x8, s22, s17, $0xb8;
	[tilespmem:$0x1FC00] =	vst v63  }
0x54: {  	_ =	swait.ge [sflag:s15], $0x3E80  }
0x55: {  	[sflag:s15] =	ssyncset.done $0x0  }
0x56: {  	s1 =	rddreg [dreg:$0x5];
	[sflag:s15] =	ssyncadd.s32 $0xFFFFC180  }
.LBB2_8:
0x57: {  	s0 =	sadd.s32 $0x1, s0  }
0x58: {  	s6 =	rddreg [dreg:$0x4];
	p1 =	sne.s32 s0, s11  }
.Ltmp1:
0x59: {  	[bflag:$0x0] =	sbarrier.arrive $0xFFFF;
	s1 =	sadd.s32 s6, s1;
	(pc) =	sbr.rel @!p1 .LBB2_9-.Ltmp1, $4  }
0x5a: {  	[hbm:s1], [sflag:s9] =	dma.local [spmem:s14], $0x1870  }
0x5b: {  	_ =	swait.ge [sflag:s15], $0x1870  }
0x5c: {  	[sflag:s15] =	ssyncset.done $0x0  }
0x5d: {  	[sflag:s15] =	ssyncadd.s32 $0xFFFFE790  }
.LBB2_1:
0x5e: {  	[spmem:s14], [sflag:s9] =	dma.local [hbm:s8], $0x1870  }
.Ltmp2:
0x5f: {  	_ =	swait.ge [sflag:s15], $0x1870;
	(pc) =	sbr.rel @p0 .LBB2_5-.Ltmp2, $3  }
0x60: {  	[sflag:s15] =	ssyncset.done $0x0  }
0x61: {  	[sflag:s15] =	ssyncadd.s32 $0xFFFFE790  }
0x62: {  	[bflag:$0x0] =	sbarrier.arrive $0xFFFF;
	_ =	sdelay $0x1  }
0x63: {  	s1 =	sadd.s32 $0x0, s13  }
0x64: {  	[tilespmem:s3], [sflag:$0x5] =	stream.linear.gather [hbm4b:s1+s3], $0x7D0, $0x38;
	[tilespmem:$0x1FC00] =	vst v63  }
0x65: {  	_ =	swait.ge [sflag:s15], $0x7D0  }
0x66: {  	[sflag:s15] =	ssyncset.done $0x0  }
0x67: {  	s6 =	sadd.s32 $0x61A80, s1;
	[sflag:s15] =	ssyncadd.s32 $0xFFFFF830  }
0x68: {  	[tilespmem:s16], [sflag:$0x5] =	stream.linear.gather [hbm4b:s6+s3], $0x7D0, $0x38;
	[tilespmem:$0x1FC00] =	vst v63  }
0x69: {  	_ =	swait.ge [sflag:s15], $0x7D0  }
0x6a: {  	[sflag:s15] =	ssyncset.done $0x0  }
0x6b: {  	s10 =	sadd.s32 $0xFA, s1;
	[sflag:s15] =	ssyncadd.s32 $0xFFFFF830  }
0x6c: {  	[tilespmem:s17], [sflag:$0x5] =	stream.linear.gather [hbm4b:s10+s3], $0x7D0, $0x38;
	[tilespmem:$0x1FC00] =	vst v63  }
0x6d: {  	_ =	swait.ge [sflag:s15], $0x7D0  }
0x6e: {  	[sflag:s15] =	ssyncset.done $0x0  }
0x6f: {  	s7 =	sadd.s32 $0x61B7A, s1;
	[sflag:s15] =	ssyncadd.s32 $0xFFFFF830  }
0x70: {  	[tilespmem:s18], [sflag:$0x5] =	stream.linear.gather [hbm4b:s7+s3], $0x7D0, $0x38;
	[tilespmem:$0x1FC00] =	vst v63  }
0x71: {  	_ =	swait.ge [sflag:s15], $0x7D0  }
0x72: {  	[sflag:s15] =	ssyncset.done $0x0  }
0x73: {  	s10 =	sadd.s32 $0x1F4, s1;
	[sflag:s15] =	ssyncadd.s32 $0xFFFFF830  }
0x74: {  	[tilespmem:s19], [sflag:$0x5] =	stream.linear.gather [hbm4b:s10+s3], $0x7D0, $0x38;
	[tilespmem:$0x1FC00] =	vst v63  }
0x75: {  	_ =	swait.ge [sflag:s15], $0x7D0  }
0x76: {  	[sflag:s15] =	ssyncset.done $0x0  }
0x77: {  	s7 =	sadd.s32 $0x61C74, s1;
	[sflag:s15] =	ssyncadd.s32 $0xFFFFF830  }
0x78: {  	[tilespmem:s20], [sflag:$0x5] =	stream.linear.gather [hbm4b:s7+s3], $0x7D0, $0x38;
	[tilespmem:$0x1FC00] =	vst v63  }
0x79: {  	_ =	swait.ge [sflag:s15], $0x7D0  }
0x7a: {  	[sflag:s15] =	ssyncset.done $0x0  }
0x7b: {  	s10 =	sadd.s32 $0x2EE, s1;
	[sflag:s15] =	ssyncadd.s32 $0xFFFFF830  }
0x7c: {  	[tilespmem:s21], [sflag:$0x5] =	stream.linear.gather [hbm4b:s10+s3], $0x7D0, $0x38;
	[tilespmem:$0x1FC00] =	vst v63  }
0x7d: {  	_ =	swait.ge [sflag:s15], $0x7D0  }
0x7e: {  	[sflag:s15] =	ssyncset.done $0x0  }
0x7f: {  	s1 =	sadd.s32 $0x61D6E, s1;
	[sflag:s15] =	ssyncadd.s32 $0xFFFFF830  }
0x80: {  	[tilespmem:s22], [sflag:$0x5] =	stream.linear.gather [hbm4b:s1+s3], $0x7D0, $0x38;
	[tilespmem:$0x1FC00] =	vst v63  }
0x81: {  	_ =	swait.ge [sflag:s15], $0x7D0  }
0x82: {  	[sflag:s15] =	ssyncset.done $0x0  }
0x83: {  	[sflag:s15] =	ssyncadd.s32 $0xFFFFF830  }
0x84: {  	[tilespmem:s23], [sflag:$0x1] =	stream.indirect.gather [hbm4b:s4+s17], $0x8, s3, s17, $0xb8;
	[tilespmem:$0x1FC00] =	vst v63  }
0x85: {  	_ = 	snop  }
0x86: {  	[tilespmem:s24], [sflag:$0x2] =	stream.indirect.gather [hbm4b:s4+s17], $0x8, s17, s17, $0xb8;
	[tilespmem:$0x1FC00] =	vst v63  }
0x87: {  	_ = 	snop  }
0x88: {  	[tilespmem:s25], [sflag:$0x3] =	stream.indirect.gather [hbm4b:s4+s17], $0x8, s19, s17, $0xb8;
	[tilespmem:$0x1FC00] =	vst v63  }
0x89: {  	_ = 	snop  }
0x8a: {  	[tilespmem:s26], [sflag:$0x4] =	stream.indirect.gather [hbm4b:s4+s17], $0x8, s21, s17, $0xb8;
	[tilespmem:$0x1FC00] =	vst v63  }
0x8b: {  	_ =	swait.ge [sflag:s28], $0x3E80  }
0x8c: {  	[sflag:s28] =	ssyncset.done $0x0  }
0x8d: {  	[sflag:s28] =	ssyncadd.s32 $0xFFFFC180  }
0x8e: {  	[spmem:s2] =	stream.indirect.scatter.add.f32 [tilespmem:s23], [sflag:$0x5], $0x8, s16, s17, $0xb8;
	[tilespmem:$0x1FC00] =	vst v63  }
0x8f: {  	_ =	swait.ge [sflag:s15], $0x3E80  }
0x90: {  	[sflag:s15] =	ssyncset.done $0x0  }
0x91: {  	[sflag:s15] =	ssyncadd.s32 $0xFFFFC180  }
0x92: {  	_ =	swait.ge [sflag:s29], $0x3E80  }
0x93: {  	[sflag:s29] =	ssyncset.done $0x0  }
0x94: {  	[sflag:s29] =	ssyncadd.s32 $0xFFFFC180  }
0x95: {  	[spmem:s2] =	stream.indirect.scatter.add.f32 [tilespmem:s24], [sflag:$0x5], $0x8, s18, s17, $0xb8;
	[tilespmem:$0x1FC00] =	vst v63  }
0x96: {  	_ =	swait.ge [sflag:s15], $0x3E80  }
0x97: {  	[sflag:s15] =	ssyncset.done $0x0  }
0x98: {  	[sflag:s15] =	ssyncadd.s32 $0xFFFFC180  }
0x99: {  	_ =	swait.ge [sflag:s30], $0x3E80  }
0x9a: {  	[sflag:s30] =	ssyncset.done $0x0  }
0x9b: {  	[sflag:s30] =	ssyncadd.s32 $0xFFFFC180  }
0x9c: {  	[spmem:s2] =	stream.indirect.scatter.add.f32 [tilespmem:s25], [sflag:$0x5], $0x8, s20, s17, $0xb8;
	[tilespmem:$0x1FC00] =	vst v63  }
0x9d: {  	_ =	swait.ge [sflag:s15], $0x3E80  }
0x9e: {  	[sflag:s15] =	ssyncset.done $0x0  }
0x9f: {  	[sflag:s15] =	ssyncadd.s32 $0xFFFFC180  }
0xa0: {  	_ =	swait.ge [sflag:s31], $0x3E80  }
0xa1: {  	[sflag:s31] =	ssyncset.done $0x0  }
0xa2: {  	[sflag:s31] =	ssyncadd.s32 $0xFFFFC180  }
0xa3: {  	[spmem:s2] =	stream.indirect.scatter.add.f32 [tilespmem:s26], [sflag:$0x5], $0x8, s22, s17, $0xb8;
	[tilespmem:$0x1FC00] =	vst v63  }
0xa4: {  	_ =	swait.ge [sflag:s15], $0x3E80  }
0xa5: {  	s10 =	simm.s32 $0x7D0;
	s1 =	simm.s32 $0x3E8;
	[sflag:s15] =	ssyncset.done $0x0  }
.LBB2_3:
0xa6: {  	s6 =	sadd.s32 s1, s13  }
0xa7: {  	[sflag:s15] =	ssyncadd.s32 $0xFFFFC180;
	s1 =	smov.u32 s10;
	s7 =	sadd.s32 $0x3E8, s10  }
0xa8: {  	[tilespmem:s3], [sflag:$0x5] =	stream.linear.gather [hbm4b:s6+s3], $0x7D0, $0x38;
	[tilespmem:$0x1FC00] =	vst v63  }
0xa9: {  	p1 =	seq.s32 s10, $0x5DC0;
	_ =	swait.ge [sflag:s15], $0x7D0  }
0xaa: {  	[sflag:s15] =	ssyncset.done $0x0  }
0xab: {  	s10 =	sadd.s32 $0x61A80, s6;
	[sflag:s15] =	ssyncadd.s32 $0xFFFFF830  }
0xac: {  	[tilespmem:s16], [sflag:$0x5] =	stream.linear.gather [hbm4b:s10+s3], $0x7D0, $0x38;
	[tilespmem:$0x1FC00] =	vst v63  }
0xad: {  	_ =	swait.ge [sflag:s15], $0x7D0  }
0xae: {  	[sflag:s15] =	ssyncset.done $0x0  }
0xaf: {  	s10 =	sadd.s32 $0xFA, s6;
	[sflag:s15] =	ssyncadd.s32 $0xFFFFF830  }
0xb0: {  	[tilespmem:s17], [sflag:$0x5] =	stream.linear.gather [hbm4b:s10+s3], $0x7D0, $0x38;
	[tilespmem:$0x1FC00] =	vst v63  }
0xb1: {  	_ =	swait.ge [sflag:s15], $0x7D0  }
0xb2: {  	[sflag:s15] =	ssyncset.done $0x0  }
0xb3: {  	s10 =	sadd.s32 $0x61B7A, s6;
	[sflag:s15] =	ssyncadd.s32 $0xFFFFF830  }
0xb4: {  	[tilespmem:s18], [sflag:$0x5] =	stream.linear.gather [hbm4b:s10+s3], $0x7D0, $0x38;
	[tilespmem:$0x1FC00] =	vst v63  }
0xb5: {  	_ =	swait.ge [sflag:s15], $0x7D0  }
0xb6: {  	[sflag:s15] =	ssyncset.done $0x0  }
0xb7: {  	s10 =	sadd.s32 $0x1F4, s6;
	[sflag:s15] =	ssyncadd.s32 $0xFFFFF830  }
0xb8: {  	[tilespmem:s19], [sflag:$0x5] =	stream.linear.gather [hbm4b:s10+s3], $0x7D0, $0x38;
	[tilespmem:$0x1FC00] =	vst v63  }
0xb9: {  	_ =	swait.ge [sflag:s15], $0x7D0  }
0xba: {  	[sflag:s15] =	ssyncset.done $0x0  }
0xbb: {  	s10 =	sadd.s32 $0x61C74, s6;
	[sflag:s15] =	ssyncadd.s32 $0xFFFFF830  }
0xbc: {  	[tilespmem:s20], [sflag:$0x5] =	stream.linear.gather [hbm4b:s10+s3], $0x7D0, $0x38;
	[tilespmem:$0x1FC00] =	vst v63  }
0xbd: {  	_ =	swait.ge [sflag:s15], $0x7D0  }
0xbe: {  	[sflag:s15] =	ssyncset.done $0x0  }
0xbf: {  	s10 =	sadd.s32 $0x2EE, s6;
	[sflag:s15] =	ssyncadd.s32 $0xFFFFF830  }
0xc0: {  	[tilespmem:s21], [sflag:$0x5] =	stream.linear.gather [hbm4b:s10+s3], $0x7D0, $0x38;
	[tilespmem:$0x1FC00] =	vst v63  }
0xc1: {  	_ =	swait.ge [sflag:s15], $0x7D0  }
0xc2: {  	[sflag:s15] =	ssyncset.done $0x0  }
0xc3: {  	s6 =	sadd.s32 $0x61D6E, s6;
	[sflag:s15] =	ssyncadd.s32 $0xFFFFF830  }
0xc4: {  	[tilespmem:s22], [sflag:$0x5] =	stream.linear.gather [hbm4b:s6+s3], $0x7D0, $0x38;
	[tilespmem:$0x1FC00] =	vst v63  }
0xc5: {  	_ =	swait.ge [sflag:s15], $0x7D0  }
0xc6: {  	[sflag:s15] =	ssyncset.done $0x0  }
0xc7: {  	[sflag:s15] =	ssyncadd.s32 $0xFFFFF830  }
0xc8: {  	[tilespmem:s23], [sflag:$0x1] =	stream.indirect.gather [hbm4b:s4+s17], $0x8, s3, s17, $0xb8;
	[tilespmem:$0x1FC00] =	vst v63  }
0xc9: {  	_ = 	snop  }
0xca: {  	[tilespmem:s24], [sflag:$0x2] =	stream.indirect.gather [hbm4b:s4+s17], $0x8, s17, s17, $0xb8;
	[tilespmem:$0x1FC00] =	vst v63  }
0xcb: {  	_ = 	snop  }
0xcc: {  	[tilespmem:s25], [sflag:$0x3] =	stream.indirect.gather [hbm4b:s4+s17], $0x8, s19, s17, $0xb8;
	[tilespmem:$0x1FC00] =	vst v63  }
0xcd: {  	_ = 	snop  }
0xce: {  	[tilespmem:s26], [sflag:$0x4] =	stream.indirect.gather [hbm4b:s4+s17], $0x8, s21, s17, $0xb8;
	[tilespmem:$0x1FC00] =	vst v63  }
0xcf: {  	_ =	swait.ge [sflag:s28], $0x3E80  }
0xd0: {  	[sflag:s28] =	ssyncset.done $0x0  }
0xd1: {  	[sflag:s28] =	ssyncadd.s32 $0xFFFFC180  }
0xd2: {  	[spmem:s2] =	stream.indirect.scatter.add.f32 [tilespmem:s23], [sflag:$0x5], $0x8, s16, s17, $0xb8;
	[tilespmem:$0x1FC00] =	vst v63  }
0xd3: {  	_ =	swait.ge [sflag:s15], $0x3E80  }
0xd4: {  	[sflag:s15] =	ssyncset.done $0x0  }
0xd5: {  	[sflag:s15] =	ssyncadd.s32 $0xFFFFC180  }
0xd6: {  	_ =	swait.ge [sflag:s29], $0x3E80  }
0xd7: {  	[sflag:s29] =	ssyncset.done $0x0  }
0xd8: {  	[sflag:s29] =	ssyncadd.s32 $0xFFFFC180  }
0xd9: {  	[spmem:s2] =	stream.indirect.scatter.add.f32 [tilespmem:s24], [sflag:$0x5], $0x8, s18, s17, $0xb8;
	[tilespmem:$0x1FC00] =	vst v63  }
0xda: {  	_ =	swait.ge [sflag:s15], $0x3E80  }
0xdb: {  	[sflag:s15] =	ssyncset.done $0x0  }
0xdc: {  	[sflag:s15] =	ssyncadd.s32 $0xFFFFC180  }
0xdd: {  	_ =	swait.ge [sflag:s30], $0x3E80  }
0xde: {  	[sflag:s30] =	ssyncset.done $0x0  }
0xdf: {  	[sflag:s30] =	ssyncadd.s32 $0xFFFFC180  }
0xe0: {  	[spmem:s2] =	stream.indirect.scatter.add.f32 [tilespmem:s25], [sflag:$0x5], $0x8, s20, s17, $0xb8;
	[tilespmem:$0x1FC00] =	vst v63  }
0xe1: {  	_ =	swait.ge [sflag:s15], $0x3E80  }
0xe2: {  	[sflag:s15] =	ssyncset.done $0x0  }
0xe3: {  	[sflag:s15] =	ssyncadd.s32 $0xFFFFC180  }
0xe4: {  	_ =	swait.ge [sflag:s31], $0x3E80  }
.Ltmp3:
0xe5: {  	[sflag:s31] =	ssyncset.done $0x0;
	(pc) =	sbr.rel @!p1 .LBB2_3-.Ltmp3, $4  }
0xe6: {  	[sflag:s31] =	ssyncadd.s32 $0xFFFFC180  }
0xe7: {  	[spmem:s2] =	stream.indirect.scatter.add.f32 [tilespmem:s26], [sflag:$0x5], $0x8, s22, s17, $0xb8;
	[tilespmem:$0x1FC00] =	vst v63  }
0xe8: {  	_ =	swait.ge [sflag:s15], $0x3E80  }
0xe9: {  	s10 =	smov.u32 s7;
	[sflag:s15] =	ssyncset.done $0x0  }
0xea: {  	s1 =	sadd.s32 s1, s13;
	[sflag:s15] =	ssyncadd.s32 $0xFFFFC180  }
0xeb: {  	[tilespmem:s3], [sflag:$0x5] =	stream.linear.gather [hbm4b:s1+s3], $0x7D0, $0x38;
	[tilespmem:$0x1FC00] =	vst v63  }
0xec: {  	_ =	swait.ge [sflag:s15], $0x7D0  }
0xed: {  	[sflag:s15] =	ssyncset.done $0x0  }
0xee: {  	s6 =	sadd.s32 $0x61A80, s1;
	[sflag:s15] =	ssyncadd.s32 $0xFFFFF830  }
0xef: {  	[tilespmem:s16], [sflag:$0x5] =	stream.linear.gather [hbm4b:s6+s3], $0x7D0, $0x38;
	[tilespmem:$0x1FC00] =	vst v63  }
0xf0: {  	_ =	swait.ge [sflag:s15], $0x7D0  }
0xf1: {  	[sflag:s15] =	ssyncset.done $0x0  }
0xf2: {  	s10 =	sadd.s32 $0xFA, s1;
	[sflag:s15] =	ssyncadd.s32 $0xFFFFF830  }
0xf3: {  	[tilespmem:s17], [sflag:$0x5] =	stream.linear.gather [hbm4b:s10+s3], $0x7D0, $0x38;
	[tilespmem:$0x1FC00] =	vst v63  }
0xf4: {  	_ =	swait.ge [sflag:s15], $0x7D0  }
0xf5: {  	[sflag:s15] =	ssyncset.done $0x0  }
0xf6: {  	s7 =	sadd.s32 $0x61B7A, s1;
	[sflag:s15] =	ssyncadd.s32 $0xFFFFF830  }
0xf7: {  	[tilespmem:s18], [sflag:$0x5] =	stream.linear.gather [hbm4b:s7+s3], $0x7D0, $0x38;
	[tilespmem:$0x1FC00] =	vst v63  }
0xf8: {  	_ =	swait.ge [sflag:s15], $0x7D0  }
0xf9: {  	[sflag:s15] =	ssyncset.done $0x0  }
0xfa: {  	s10 =	sadd.s32 $0x1F4, s1;
	[sflag:s15] =	ssyncadd.s32 $0xFFFFF830  }
0xfb: {  	[tilespmem:s19], [sflag:$0x5] =	stream.linear.gather [hbm4b:s10+s3], $0x7D0, $0x38;
	[tilespmem:$0x1FC00] =	vst v63  }
0xfc: {  	_ =	swait.ge [sflag:s15], $0x7D0  }
0xfd: {  	[sflag:s15] =	ssyncset.done $0x0  }
0xfe: {  	s7 =	sadd.s32 $0x61C74, s1;
	[sflag:s15] =	ssyncadd.s32 $0xFFFFF830  }
0xff: {  	[tilespmem:s20], [sflag:$0x5] =	stream.linear.gather [hbm4b:s7+s3], $0x7D0, $0x38;
	[tilespmem:$0x1FC00] =	vst v63  }
0x100: {  	_ =	swait.ge [sflag:s15], $0x7D0  }
0x101: {  	[sflag:s15] =	ssyncset.done $0x0  }
0x102: {  	s10 =	sadd.s32 $0x2EE, s1;
	[sflag:s15] =	ssyncadd.s32 $0xFFFFF830  }
0x103: {  	[tilespmem:s21], [sflag:$0x5] =	stream.linear.gather [hbm4b:s10+s3], $0x7D0, $0x38;
	[tilespmem:$0x1FC00] =	vst v63  }
0x104: {  	_ =	swait.ge [sflag:s15], $0x7D0  }
0x105: {  	[sflag:s15] =	ssyncset.done $0x0  }
0x106: {  	s1 =	sadd.s32 $0x61D6E, s1;
	[sflag:s15] =	ssyncadd.s32 $0xFFFFF830  }
0x107: {  	[tilespmem:s22], [sflag:$0x5] =	stream.linear.gather [hbm4b:s1+s3], $0x7D0, $0x38;
	[tilespmem:$0x1FC00] =	vst v63  }
0x108: {  	_ =	swait.ge [sflag:s15], $0x7D0  }
0x109: {  	[sflag:s15] =	ssyncset.done $0x0  }
0x10a: {  	[sflag:s15] =	ssyncadd.s32 $0xFFFFF830  }
0x10b: {  	[tilespmem:s23], [sflag:$0x1] =	stream.indirect.gather [hbm4b:s4+s17], $0x8, s3, s17, $0xb8;
	[tilespmem:$0x1FC00] =	vst v63  }
0x10c: {  	_ = 	snop  }
0x10d: {  	[tilespmem:s24], [sflag:$0x2] =	stream.indirect.gather [hbm4b:s4+s17], $0x8, s17, s17, $0xb8;
	[tilespmem:$0x1FC00] =	vst v63  }
0x10e: {  	_ = 	snop  }
0x10f: {  	[tilespmem:s25], [sflag:$0x3] =	stream.indirect.gather [hbm4b:s4+s17], $0x8, s19, s17, $0xb8;
	[tilespmem:$0x1FC00] =	vst v63  }
0x110: {  	_ = 	snop  }
0x111: {  	[tilespmem:s26], [sflag:$0x4] =	stream.indirect.gather [hbm4b:s4+s17], $0x8, s21, s17, $0xb8;
	[tilespmem:$0x1FC00] =	vst v63  }
0x112: {  	_ =	swait.ge [sflag:s28], $0x3E80  }
0x113: {  	[sflag:s28] =	ssyncset.done $0x0  }
0x114: {  	[sflag:s28] =	ssyncadd.s32 $0xFFFFC180  }
0x115: {  	[spmem:s2] =	stream.indirect.scatter.add.f32 [tilespmem:s23], [sflag:$0x5], $0x8, s16, s17, $0xb8;
	[tilespmem:$0x1FC00] =	vst v63  }
0x116: {  	_ =	swait.ge [sflag:s15], $0x3E80  }
0x117: {  	[sflag:s15] =	ssyncset.done $0x0  }
0x118: {  	[sflag:s15] =	ssyncadd.s32 $0xFFFFC180  }
0x119: {  	_ =	swait.ge [sflag:s29], $0x3E80  }
0x11a: {  	[sflag:s29] =	ssyncset.done $0x0  }
0x11b: {  	[sflag:s29] =	ssyncadd.s32 $0xFFFFC180  }
0x11c: {  	[spmem:s2] =	stream.indirect.scatter.add.f32 [tilespmem:s24], [sflag:$0x5], $0x8, s18, s17, $0xb8;
	[tilespmem:$0x1FC00] =	vst v63  }
0x11d: {  	_ =	swait.ge [sflag:s15], $0x3E80  }
0x11e: {  	[sflag:s15] =	ssyncset.done $0x0  }
0x11f: {  	[sflag:s15] =	ssyncadd.s32 $0xFFFFC180  }
0x120: {  	_ =	swait.ge [sflag:s30], $0x3E80  }
0x121: {  	[sflag:s30] =	ssyncset.done $0x0  }
0x122: {  	[sflag:s30] =	ssyncadd.s32 $0xFFFFC180  }
0x123: {  	[spmem:s2] =	stream.indirect.scatter.add.f32 [tilespmem:s25], [sflag:$0x5], $0x8, s20, s17, $0xb8;
	[tilespmem:$0x1FC00] =	vst v63  }
0x124: {  	_ =	swait.ge [sflag:s15], $0x3E80  }
0x125: {  	[sflag:s15] =	ssyncset.done $0x0  }
0x126: {  	[sflag:s15] =	ssyncadd.s32 $0xFFFFC180  }
0x127: {  	_ =	swait.ge [sflag:s31], $0x3E80  }
0x128: {  	[sflag:s31] =	ssyncset.done $0x0  }
.Ltmp4:
0x129: {  	[sflag:s31] =	ssyncadd.s32 $0xFFFFC180;
	(pc) =	sbr.rel .LBB2_8-.Ltmp4, $4  }
0x12a: {  	[spmem:s2] =	stream.indirect.scatter.add.f32 [tilespmem:s26], [sflag:$0x5], $0x8, s22, s17, $0xb8;
	[tilespmem:$0x1FC00] =	vst v63  }
0x12b: {  	_ =	swait.ge [sflag:s15], $0x3E80  }
0x12c: {  	[sflag:s15] =	ssyncset.done $0x0  }
0x12d: {  	s1 =	rddreg [dreg:$0x3];
	[sflag:s15] =	ssyncadd.s32 $0xFFFFC180  }
.LBB2_5:
0x12e: {  	s1 =	sadd.s32 $0x0, s12  }
0x12f: {  	[tilespmem:s3], [sflag:$0x5] =	stream.linear.gather [hbm4b:s1+s3], $0x7D0, $0x38;
	[tilespmem:$0x1FC00] =	vst v63  }
0x130: {  	_ =	swait.ge [sflag:s15], $0x7D0  }
0x131: {  	[sflag:s15] =	ssyncset.done $0x0  }
0x132: {  	s6 =	sadd.s32 $0x61A80, s1;
	[sflag:s15] =	ssyncadd.s32 $0xFFFFF830  }
0x133: {  	[tilespmem:s16], [sflag:$0x5] =	stream.linear.gather [hbm4b:s6+s3], $0x7D0, $0x38;
	[tilespmem:$0x1FC00] =	vst v63  }
0x134: {  	_ =	swait.ge [sflag:s15], $0x7D0  }
0x135: {  	[sflag:s15] =	ssyncset.done $0x0  }
0x136: {  	s10 =	sadd.s32 $0xFA, s1;
	[sflag:s15] =	ssyncadd.s32 $0xFFFFF830  }
0x137: {  	[tilespmem:s17], [sflag:$0x5] =	stream.linear.gather [hbm4b:s10+s3], $0x7D0, $0x38;
	[tilespmem:$0x1FC00] =	vst v63  }
0x138: {  	_ =	swait.ge [sflag:s15], $0x7D0  }
0x139: {  	[sflag:s15] =	ssyncset.done $0x0  }
0x13a: {  	s7 =	sadd.s32 $0x61B7A, s1;
	[sflag:s15] =	ssyncadd.s32 $0xFFFFF830  }
0x13b: {  	[tilespmem:s18], [sflag:$0x5] =	stream.linear.gather [hbm4b:s7+s3], $0x7D0, $0x38;
	[tilespmem:$0x1FC00] =	vst v63  }
0x13c: {  	_ =	swait.ge [sflag:s15], $0x7D0  }
0x13d: {  	[sflag:s15] =	ssyncset.done $0x0  }
0x13e: {  	s10 =	sadd.s32 $0x1F4, s1;
	[sflag:s15] =	ssyncadd.s32 $0xFFFFF830  }
0x13f: {  	[tilespmem:s19], [sflag:$0x5] =	stream.linear.gather [hbm4b:s10+s3], $0x7D0, $0x38;
	[tilespmem:$0x1FC00] =	vst v63  }
0x140: {  	_ =	swait.ge [sflag:s15], $0x7D0  }
0x141: {  	[sflag:s15] =	ssyncset.done $0x0  }
0x142: {  	s7 =	sadd.s32 $0x61C74, s1;
	[sflag:s15] =	ssyncadd.s32 $0xFFFFF830  }
0x143: {  	[tilespmem:s20], [sflag:$0x5] =	stream.linear.gather [hbm4b:s7+s3], $0x7D0, $0x38;
	[tilespmem:$0x1FC00] =	vst v63  }
0x144: {  	_ =	swait.ge [sflag:s15], $0x7D0  }
0x145: {  	[sflag:s15] =	ssyncset.done $0x0  }
0x146: {  	s10 =	sadd.s32 $0x2EE, s1;
	[sflag:s15] =	ssyncadd.s32 $0xFFFFF830  }
0x147: {  	[tilespmem:s21], [sflag:$0x5] =	stream.linear.gather [hbm4b:s10+s3], $0x7D0, $0x38;
	[tilespmem:$0x1FC00] =	vst v63  }
0x148: {  	_ =	swait.ge [sflag:s15], $0x7D0  }
0x149: {  	[sflag:s15] =	ssyncset.done $0x0  }
0x14a: {  	s1 =	sadd.s32 $0x61D6E, s1;
	[sflag:s15] =	ssyncadd.s32 $0xFFFFF830  }
0x14b: {  	[tilespmem:s22], [sflag:$0x5] =	stream.linear.gather [hbm4b:s1+s3], $0x7D0, $0x38;
	[tilespmem:$0x1FC00] =	vst v63  }
0x14c: {  	_ =	swait.ge [sflag:s15], $0x7D0  }
0x14d: {  	[sflag:s15] =	ssyncset.done $0x0  }
0x14e: {  	[sflag:s15] =	ssyncadd.s32 $0xFFFFF830  }
0x14f: {  	[tilespmem:s23], [sflag:$0x1] =	stream.indirect.gather [hbm4b:s5+s17], $0x8, s3, s17, $0xb8;
	[tilespmem:$0x1FC00] =	vst v63  }
0x150: {  	_ = 	snop  }
0x151: {  	[tilespmem:s24], [sflag:$0x2] =	stream.indirect.gather [hbm4b:s5+s17], $0x8, s17, s17, $0xb8;
	[tilespmem:$0x1FC00] =	vst v63  }
0x152: {  	_ = 	snop  }
0x153: {  	[tilespmem:s25], [sflag:$0x3] =	stream.indirect.gather [hbm4b:s5+s17], $0x8, s19, s17, $0xb8;
	[tilespmem:$0x1FC00] =	vst v63  }
0x154: {  	_ = 	snop  }
0x155: {  	[tilespmem:s26], [sflag:$0x4] =	stream.indirect.gather [hbm4b:s5+s17], $0x8, s21, s17, $0xb8;
	[tilespmem:$0x1FC00] =	vst v63  }
0x156: {  	_ =	swait.ge [sflag:s28], $0x3E80  }
0x157: {  	[sflag:s28] =	ssyncset.done $0x0  }
0x158: {  	[sflag:s28] =	ssyncadd.s32 $0xFFFFC180  }
0x159: {  	[spmem:s2] =	stream.indirect.scatter.add.f32 [tilespmem:s23], [sflag:$0x5], $0x8, s16, s17, $0xb8;
	[tilespmem:$0x1FC00] =	vst v63  }
0x15a: {  	_ =	swait.ge [sflag:s15], $0x3E80  }
0x15b: {  	[sflag:s15] =	ssyncset.done $0x0  }
0x15c: {  	[sflag:s15] =	ssyncadd.s32 $0xFFFFC180  }
0x15d: {  	_ =	swait.ge [sflag:s29], $0x3E80  }
0x15e: {  	[sflag:s29] =	ssyncset.done $0x0  }
0x15f: {  	[sflag:s29] =	ssyncadd.s32 $0xFFFFC180  }
0x160: {  	[spmem:s2] =	stream.indirect.scatter.add.f32 [tilespmem:s24], [sflag:$0x5], $0x8, s18, s17, $0xb8;
	[tilespmem:$0x1FC00] =	vst v63  }
0x161: {  	_ =	swait.ge [sflag:s15], $0x3E80  }
0x162: {  	[sflag:s15] =	ssyncset.done $0x0  }
0x163: {  	[sflag:s15] =	ssyncadd.s32 $0xFFFFC180  }
0x164: {  	_ =	swait.ge [sflag:s30], $0x3E80  }
0x165: {  	[sflag:s30] =	ssyncset.done $0x0  }
0x166: {  	[sflag:s30] =	ssyncadd.s32 $0xFFFFC180  }
0x167: {  	[spmem:s2] =	stream.indirect.scatter.add.f32 [tilespmem:s25], [sflag:$0x5], $0x8, s20, s17, $0xb8;
	[tilespmem:$0x1FC00] =	vst v63  }
0x168: {  	_ =	swait.ge [sflag:s15], $0x3E80  }
0x169: {  	[sflag:s15] =	ssyncset.done $0x0  }
0x16a: {  	[sflag:s15] =	ssyncadd.s32 $0xFFFFC180  }
0x16b: {  	_ =	swait.ge [sflag:s31], $0x3E80  }
0x16c: {  	[sflag:s31] =	ssyncset.done $0x0  }
0x16d: {  	[sflag:s31] =	ssyncadd.s32 $0xFFFFC180  }
0x16e: {  	[spmem:s2] =	stream.indirect.scatter.add.f32 [tilespmem:s26], [sflag:$0x5], $0x8, s22, s17, $0xb8;
	[tilespmem:$0x1FC00] =	vst v63  }
0x16f: {  	_ =	swait.ge [sflag:s15], $0x3E80  }
0x170: {  	s7 =	simm.s32 $0x7D0;
	s1 =	simm.s32 $0x3E8;
	[sflag:s15] =	ssyncset.done $0x0  }
.LBB2_6:
0x171: {  	s6 =	sadd.s32 s1, s12  }
0x172: {  	[sflag:s15] =	ssyncadd.s32 $0xFFFFC180;
	s1 =	smov.u32 s7;
	s10 =	sadd.s32 $0x3E8, s7  }
0x173: {  	[tilespmem:s3], [sflag:$0x5] =	stream.linear.gather [hbm4b:s6+s3], $0x7D0, $0x38;
	[tilespmem:$0x1FC00] =	vst v63  }
0x174: {  	p1 =	sne.s32 s7, $0x5DC0;
	_ =	swait.ge [sflag:s15], $0x7D0  }
0x175: {  	[sflag:s15] =	ssyncset.done $0x0  }
0x176: {  	s7 =	sadd.s32 $0x61A80, s6;
	[sflag:s15] =	ssyncadd.s32 $0xFFFFF830  }
0x177: {  	[tilespmem:s16], [sflag:$0x5] =	stream.linear.gather [hbm4b:s7+s3], $0x7D0, $0x38;
	[tilespmem:$0x1FC00] =	vst v63  }
0x178: {  	_ =	swait.ge [sflag:s15], $0x7D0  }
0x179: {  	[sflag:s15] =	ssyncset.done $0x0  }
0x17a: {  	s7 =	sadd.s32 $0xFA, s6;
	[sflag:s15] =	ssyncadd.s32 $0xFFFFF830  }
0x17b: {  	[tilespmem:s17], [sflag:$0x5] =	stream.linear.gather [hbm4b:s7+s3], $0x7D0, $0x38;
	[tilespmem:$0x1FC00] =	vst v63  }
0x17c: {  	_ =	swait.ge [sflag:s15], $0x7D0  }
0x17d: {  	[sflag:s15] =	ssyncset.done $0x0  }
0x17e: {  	s7 =	sadd.s32 $0x61B7A, s6;
	[sflag:s15] =	ssyncadd.s32 $0xFFFFF830  }
0x17f: {  	[tilespmem:s18], [sflag:$0x5] =	stream.linear.gather [hbm4b:s7+s3], $0x7D0, $0x38;
	[tilespmem:$0x1FC00] =	vst v63  }
0x180: {  	_ =	swait.ge [sflag:s15], $0x7D0  }
0x181: {  	[sflag:s15] =	ssyncset.done $0x0  }
0x182: {  	s7 =	sadd.s32 $0x1F4, s6;
	[sflag:s15] =	ssyncadd.s32 $0xFFFFF830  }
0x183: {  	[tilespmem:s19], [sflag:$0x5] =	stream.linear.gather [hbm4b:s7+s3], $0x7D0, $0x38;
	[tilespmem:$0x1FC00] =	vst v63  }
0x184: {  	_ =	swait.ge [sflag:s15], $0x7D0  }
0x185: {  	[sflag:s15] =	ssyncset.done $0x0  }
0x186: {  	s7 =	sadd.s32 $0x61C74, s6;
	[sflag:s15] =	ssyncadd.s32 $0xFFFFF830  }
0x187: {  	[tilespmem:s20], [sflag:$0x5] =	stream.linear.gather [hbm4b:s7+s3], $0x7D0, $0x38;
	[tilespmem:$0x1FC00] =	vst v63  }
0x188: {  	_ =	swait.ge [sflag:s15], $0x7D0  }
0x189: {  	[sflag:s15] =	ssyncset.done $0x0  }
0x18a: {  	s7 =	sadd.s32 $0x2EE, s6;
	[sflag:s15] =	ssyncadd.s32 $0xFFFFF830  }
0x18b: {  	[tilespmem:s21], [sflag:$0x5] =	stream.linear.gather [hbm4b:s7+s3], $0x7D0, $0x38;
	[tilespmem:$0x1FC00] =	vst v63  }
0x18c: {  	_ =	swait.ge [sflag:s15], $0x7D0  }
0x18d: {  	[sflag:s15] =	ssyncset.done $0x0  }
0x18e: {  	s6 =	sadd.s32 $0x61D6E, s6;
	[sflag:s15] =	ssyncadd.s32 $0xFFFFF830  }
0x18f: {  	[tilespmem:s22], [sflag:$0x5] =	stream.linear.gather [hbm4b:s6+s3], $0x7D0, $0x38;
	[tilespmem:$0x1FC00] =	vst v63  }
0x190: {  	_ =	swait.ge [sflag:s15], $0x7D0  }
0x191: {  	[sflag:s15] =	ssyncset.done $0x0  }
0x192: {  	[sflag:s15] =	ssyncadd.s32 $0xFFFFF830  }
0x193: {  	[tilespmem:s23], [sflag:$0x1] =	stream.indirect.gather [hbm4b:s5+s17], $0x8, s3, s17, $0xb8;
	[tilespmem:$0x1FC00] =	vst v63  }
0x194: {  	_ = 	snop  }
0x195: {  	[tilespmem:s24], [sflag:$0x2] =	stream.indirect.gather [hbm4b:s5+s17], $0x8, s17, s17, $0xb8;
	[tilespmem:$0x1FC00] =	vst v63  }
0x196: {  	_ = 	snop  }
0x197: {  	[tilespmem:s25], [sflag:$0x3] =	stream.indirect.gather [hbm4b:s5+s17], $0x8, s19, s17, $0xb8;
	[tilespmem:$0x1FC00] =	vst v63  }
0x198: {  	_ = 	snop  }
0x199: {  	[tilespmem:s26], [sflag:$0x4] =	stream.indirect.gather [hbm4b:s5+s17], $0x8, s21, s17, $0xb8;
	[tilespmem:$0x1FC00] =	vst v63  }
0x19a: {  	_ =	swait.ge [sflag:s28], $0x3E80  }
0x19b: {  	[sflag:s28] =	ssyncset.done $0x0  }
0x19c: {  	[sflag:s28] =	ssyncadd.s32 $0xFFFFC180  }
0x19d: {  	[spmem:s2] =	stream.indirect.scatter.add.f32 [tilespmem:s23], [sflag:$0x5], $0x8, s16, s17, $0xb8;
	[tilespmem:$0x1FC00] =	vst v63  }
0x19e: {  	_ =	swait.ge [sflag:s15], $0x3E80  }
0x19f: {  	[sflag:s15] =	ssyncset.done $0x0  }
0x1a0: {  	[sflag:s15] =	ssyncadd.s32 $0xFFFFC180  }
0x1a1: {  	_ =	swait.ge [sflag:s29], $0x3E80  }
0x1a2: {  	[sflag:s29] =	ssyncset.done $0x0  }
0x1a3: {  	[sflag:s29] =	ssyncadd.s32 $0xFFFFC180  }
0x1a4: {  	[spmem:s2] =	stream.indirect.scatter.add.f32 [tilespmem:s24], [sflag:$0x5], $0x8, s18, s17, $0xb8;
	[tilespmem:$0x1FC00] =	vst v63  }
0x1a5: {  	_ =	swait.ge [sflag:s15], $0x3E80  }
0x1a6: {  	[sflag:s15] =	ssyncset.done $0x0  }
0x1a7: {  	[sflag:s15] =	ssyncadd.s32 $0xFFFFC180  }
0x1a8: {  	_ =	swait.ge [sflag:s30], $0x3E80  }
0x1a9: {  	[sflag:s30] =	ssyncset.done $0x0  }
0x1aa: {  	[sflag:s30] =	ssyncadd.s32 $0xFFFFC180  }
0x1ab: {  	[spmem:s2] =	stream.indirect.scatter.add.f32 [tilespmem:s25], [sflag:$0x5], $0x8, s20, s17, $0xb8;
	[tilespmem:$0x1FC00] =	vst v63  }
0x1ac: {  	_ =	swait.ge [sflag:s15], $0x3E80  }
0x1ad: {  	[sflag:s15] =	ssyncset.done $0x0  }
0x1ae: {  	[sflag:s15] =	ssyncadd.s32 $0xFFFFC180  }
0x1af: {  	_ =	swait.ge [sflag:s31], $0x3E80  }
.Ltmp5:
0x1b0: {  	[sflag:s31] =	ssyncset.done $0x0;
	(pc) =	sbr.rel @p1 .LBB2_6-.Ltmp5, $4  }
0x1b1: {  	[sflag:s31] =	ssyncadd.s32 $0xFFFFC180  }
0x1b2: {  	[spmem:s2] =	stream.indirect.scatter.add.f32 [tilespmem:s26], [sflag:$0x5], $0x8, s22, s17, $0xb8;
	[tilespmem:$0x1FC00] =	vst v63  }
0x1b3: {  	_ =	swait.ge [sflag:s15], $0x3E80  }
0x1b4: {  	s7 =	smov.u32 s10;
	[sflag:s15] =	ssyncset.done $0x0  }
.Ltmp6:
0x1b5: {  	_ = 	snop;
	(pc) =	sbr.rel .LBB2_7-.Ltmp6, $1  }
0x1b6: {  	_ =	sdelay $0x3  }
.LBB2_9:
0x1b7: {  	_ =	sfence.sel $0x180000  }
0x1b8: {  	[bflag:$0x0] =	sbarrier.arrive $0xFFFF  }
0x1b9: {  	_ =	strace $0x90000047  }
0x1ba: {  	s0 =	stileid.u32;
	[bflag:$0x2] =	sbarrier.arrive $0xFFFF  }
0x1bb: {  	p0 =	sne.s32 s0, $0x0;
	s0 =	rddreg [dreg:$0x2]  }
0x1bc: {  	s0 =	sadd.s32 @!p0 $0x100000, s0  }
0x1bd: {  	[sflag:s0] =	ssyncadd.tile.s32 @!p0 $0x1;
	_ =	shalt  }
.Lfunc_end2:
_tile_overlayer_lowered:
.L_overlay_start_2:
0x1be: {  	(tag) =	ssettag $0x2  }
0x1bf: {  	s0 =	rddreg [dreg:$0x0];
	s2 =	stileid.u32  }
0x1c0: {  	s1 =	rddreg [dreg:$0x1];
	p0 =	sne.s32 s2, $0x0  }
0x1c1: {  	s3 =	rddreg [dreg:$0x2];
	[bflag:$0x3] =	sbarrier.arrive $0xFFFF;
	s2 =	simm.s32 @!p0 $0x1C05  }
0x1c2: {  	[timem:s3], [sflag:s2] =	dma.local @!p0 [hbm:s0], s1  }
0x1c3: {  	s0 =	simm.s32 @!p0 $0x5  }
0x1c4: {  	_ =	swait.ge @!p0 [sflag:s0], s1  }
0x1c5: {  	s1 =	ssub.s32 @!p0 $0x0, s1;
	[sflag:s0] =	ssyncset.done @!p0 $0x0  }
0x1c6: {  	[sflag:s0] =	ssyncadd.s32 @!p0 s1  }
0x1c7: {  	[bflag:$0x3] =	sbarrier.arrive $0xFFFF  }
0x1c8: {  	_ =	shalt  }

</sc_bundles>
